<compile_context>
chip_gen: v7x
topology: tpu7x:2x2x1
jax: 0.10.2.dev20260603
libtpu: 0.0.44.dev20260713+nightly
codegen_flags: <defaults>
</compile_context>

<pallas_src>
import functools

import jax
import jax.numpy as jnp
from jax import lax
from jax.experimental import pallas as pl
from jax.experimental.pallas import tpu as pltpu
from jax.experimental.pallas import tpu_sc as plsc

N = 10000
E = 320000
D = 128
NC = 2
NS = 16
NW = NC * NS
CH = 128
CPW = -(-E // (NW * CH))
EP = NW * CPW * CH
NPAD = N + 8
NSP = 10240
RWB = NSP // NS
NB = RWB // CH

_mesh = plsc.VectorSubcoreMesh(core_axis_name="c", subcore_axis_name="s")


@functools.partial(
    pl.kernel,
    out_type=jax.ShapeDtypeStruct((NC, N), jnp.float32),
    mesh=_mesh,
    scratch_types=[
        pltpu.VMEM((CPW, CH), jnp.int32),
        pltpu.VMEM((CH,), jnp.float32),
        pltpu.VMEM((N,), jnp.float32),
        pltpu.VMEM_SHARED((NPAD,), jnp.float32),
    ],
)
def _deg_kernel(col_hbm, degp_hbm, cidx_v, ones_v, stage_v, deg_sh):
    cid = lax.axis_index("c")
    sid = lax.axis_index("s")
    wid = sid * NC + cid
    ones16 = jnp.ones((16,), jnp.float32)
    for j in range(CH // 16):
        ones_v[pl.ds(16 * j, 16)] = ones16

    @pl.when(sid == 0)
    def _zero():
        def zbody(i, carry):
            stage_v[pl.ds(i * 16, 16)] = jnp.zeros((16,), jnp.float32)
            return carry
        lax.fori_loop(0, N // 16, zbody, 0)
        pltpu.sync_copy(stage_v, deg_sh.at[pl.ds(0, N)])

    pltpu.sync_copy(col_hbm.at[wid], cidx_v)
    plsc.subcore_barrier()

    def body(c, carry):
        pltpu.sync_copy(ones_v, deg_sh.at[cidx_v.at[c]], add=True)
        return carry
    lax.fori_loop(0, CPW, body, 0)
    plsc.subcore_barrier()

    @pl.when(sid == 0)
    def _writeback():
        pltpu.sync_copy(deg_sh.at[pl.ds(0, N)], stage_v)
        pltpu.sync_copy(stage_v, degp_hbm.at[cid])


@functools.partial(
    pl.kernel,
    out_type=jax.ShapeDtypeStruct((NC * NSP, D), jnp.float32),
    mesh=_mesh,
    scratch_types=[
        pltpu.VMEM((CPW, CH), jnp.int32),
        pltpu.VMEM((CPW, CH), jnp.int32),
        pltpu.VMEM((CH, D), jnp.float32),
        pltpu.VMEM_SHARED((NSP, D), jnp.float32),
        pltpu.SemaphoreType.DMA,
    ],
)
def _scatter_kernel(row_hbm, col_hbm, hs_hbm, accp_hbm,
                    ridx_v, cidx_v, rows_v, acc_sh, sem):
    cid = lax.axis_index("c")
    sid = lax.axis_index("s")
    wid = sid * NC + cid

    zrow = jnp.zeros((16,), jnp.float32)

    def zbody(i, carry):
        for j in range(D // 16):
            rows_v[i, pl.ds(16 * j, 16)] = zrow
        return carry
    lax.fori_loop(0, CH, zbody, 0)
    zbase = sid * RWB
    for k in range(NB):
        pltpu.sync_copy(rows_v, acc_sh.at[pl.ds(zbase + k * CH, CH)])

    pltpu.sync_copy(row_hbm.at[wid], ridx_v)
    pltpu.sync_copy(col_hbm.at[wid], cidx_v)
    plsc.subcore_barrier()

    def body(c, carry):
        pltpu.async_copy(hs_hbm.at[ridx_v.at[c]], rows_v, sem).wait()
        pltpu.sync_copy(rows_v, acc_sh.at[cidx_v.at[c]], add=True)
        return carry
    lax.fori_loop(0, CPW, body, 0)
    plsc.subcore_barrier()

    obase = cid * NSP + sid * RWB
    for k in range(NB):
        pltpu.sync_copy(acc_sh.at[pl.ds(zbase + k * CH, CH)], rows_v)
        pltpu.sync_copy(rows_v, accp_hbm.at[pl.ds(obase + k * CH, CH)])


BLK = 1000


def _mm_body(x_ref, wg_ref, wl_ref, d0_ref, d1_ref, hs_ref, x2_ref):
    xb = x_ref[...]
    dinv = lax.rsqrt(d0_ref[...] + d1_ref[...] + 1.0)
    h = lax.dot_general(xb, wg_ref[...], (((1,), (1,)), ((), ())),
                        preferred_element_type=jnp.float32)
    hs_ref[...] = h * dinv
    x2_ref[...] = lax.dot_general(xb, wl_ref[...], (((1,), (1,)), ((), ())),
                                  preferred_element_type=jnp.float32)


_mm_call = pl.pallas_call(
    _mm_body,
    grid=(N // BLK,),
    in_specs=[
        pl.BlockSpec((BLK, D), lambda i: (i, 0)),
        pl.BlockSpec((D, D), lambda i: (0, 0)),
        pl.BlockSpec((D, D), lambda i: (0, 0)),
        pl.BlockSpec((BLK, 1), lambda i: (i, 0)),
        pl.BlockSpec((BLK, 1), lambda i: (i, 0)),
    ],
    out_specs=(
        pl.BlockSpec((BLK, D), lambda i: (i, 0)),
        pl.BlockSpec((BLK, D), lambda i: (i, 0)),
    ),
    out_shape=(
        jax.ShapeDtypeStruct((N, D), jnp.float32),
        jax.ShapeDtypeStruct((N, D), jnp.float32),
    ),
)


def _fin_body(a0_ref, a1_ref, hs_ref, x2_ref, d0_ref, d1_ref,
              b_ref, g_ref, be_ref, out_ref):
    dinv = lax.rsqrt(d0_ref[...] + d1_ref[...] + 1.0)
    z = (dinv * (a0_ref[...] + a1_ref[...] + hs_ref[...])
         + b_ref[...] + x2_ref[...] + 1e-6)
    mu = jnp.mean(z, axis=1, keepdims=True)
    zc = z - mu
    var = jnp.mean(zc * zc, axis=1, keepdims=True)
    out_ref[...] = zc * lax.rsqrt(var + 1e-5) * g_ref[...] + be_ref[...]


_fin_call = pl.pallas_call(
    _fin_body,
    grid=(N // BLK,),
    in_specs=[
        pl.BlockSpec((BLK, D), lambda i: (i, 0)),
        pl.BlockSpec((BLK, D), lambda i: (i, 0)),
        pl.BlockSpec((BLK, D), lambda i: (i, 0)),
        pl.BlockSpec((BLK, D), lambda i: (i, 0)),
        pl.BlockSpec((BLK, 1), lambda i: (i, 0)),
        pl.BlockSpec((BLK, 1), lambda i: (i, 0)),
        pl.BlockSpec((1, D), lambda i: (0, 0)),
        pl.BlockSpec((1, D), lambda i: (0, 0)),
        pl.BlockSpec((1, D), lambda i: (0, 0)),
    ],
    out_specs=pl.BlockSpec((BLK, D), lambda i: (i, 0)),
    out_shape=jax.ShapeDtypeStruct((N, D), jnp.float32),
)


def kernel(adj, x, W_gcn, b_gcn, W_lin, gamma, beta):
    adj = adj.astype(jnp.int32)
    pad = EP - E
    rowp = jnp.concatenate(
        [adj[0], jnp.zeros((pad,), jnp.int32)]).reshape(NW, CPW, CH)
    colp = jnp.concatenate(
        [adj[1], jnp.full((pad,), N, jnp.int32)]).reshape(NW, CPW, CH)
    degp = _deg_kernel(colp)
    d0 = degp[0].reshape(N, 1)
    d1 = degp[1].reshape(N, 1)
    hs, x2 = _mm_call(x, W_gcn, W_lin, d0, d1)
    accp = _scatter_kernel(rowp, colp, hs)
    out = _fin_call(accp[:N], accp[NSP:NSP + N], hs, x2, d0, d1,
                    b_gcn.reshape(1, D), gamma.reshape(1, D),
                    beta.reshape(1, D))
    return out

# --- scband reference (transcript-rebuilt; emitter-appended) ---
"""Pipeline reference for scband-graph-node-update-2302102471102 (READ-ONLY COPY).

The authoritative reference and input builder live on the scoring server;
editing this copy changes nothing except your own understanding.
"""

import jax, jax.numpy as jnp
import numpy as np

N = 10000
E = 320000
D = 128


def setup_inputs(seed: int = 0) -> dict:
    key = jax.random.key(seed)
    k1, k2, k3, k4 = jax.random.split(key, 4)
    adj = jax.random.randint(k1, (2, E), 0, N, dtype=jnp.int64)
    x = jax.random.normal(k2, (N, D), dtype=jnp.float32)
    W_gcn = jax.random.normal(k3, (D, D), dtype=jnp.float32) * 0.05
    b_gcn = jnp.zeros((D,), dtype=jnp.float32)
    W_lin = jax.random.normal(k4, (D, D), dtype=jnp.float32) * 0.05
    gamma = jnp.ones((D,), dtype=jnp.float32)
    beta = jnp.zeros((D,), dtype=jnp.float32)
    return {"adj": adj, "x": x, "W_gcn": W_gcn, "b_gcn": b_gcn, "W_lin": W_lin, "gamma": gamma, "beta": beta}


def reference(adj, x, W_gcn, b_gcn, W_lin, gamma, beta):
    n = x.shape[0]
    # --- GCNConv (PyG semantics): add self-loops, symmetric normalization ---
    loops = jnp.arange(n, dtype=adj.dtype)
    row = jnp.concatenate([adj[0], loops])
    col = jnp.concatenate([adj[1], loops])
    ew = jnp.ones(row.shape[0], dtype=x.dtype)
    deg = jnp.zeros((n,), dtype=x.dtype).at[col].add(ew)
    dinv = jnp.where(deg > 0, deg ** -0.5, 0.0)
    norm = dinv[row] * ew * dinv[col]
    h = x @ W_gcn.T
    msg = jnp.take(h, row, axis=0) * norm[:, None]
    x1 = jnp.zeros((n, h.shape[1]), dtype=x.dtype).at[col].add(msg) + b_gcn
    # --- parallel linear branch (bias=False) ---
    x2 = x @ W_lin.T
    # --- residual combine + LayerNorm (elementwise affine) ---
    z = x1 + x2 + 1e-06
    mu = jnp.mean(z, axis=-1, keepdims=True)
    var = jnp.var(z, axis=-1, keepdims=True)
    out = (z - mu) / jnp.sqrt(var + 1e-05) * gamma + beta
    return out

if __name__ == "__main__":
    import jax
    _d = setup_inputs()
    print(jax.jit(kernel)(*tuple(_d.values())))

</pallas_src>

<mosaic_0001>
#map = affine_map<(d0, d1) -> (0, 0, 0)>
#map1 = affine_map<(d0, d1) -> (0, 0)>
module attributes {stable_mosaic.version = 14 : i64} {
  func.func @_scatter_kernel(%arg0: i32, %arg1: i32, %arg2: memref<32x79x128xi32, #tpu.memory_space<hbm>>, %arg3: memref<32x79x128xi32, #tpu.memory_space<hbm>>, %arg4: memref<10000x128xf32, #tpu.memory_space<hbm>>, %arg5: memref<20480x128xf32, #tpu.memory_space<hbm>>, %arg6: memref<79x128xi32, #tpu.memory_space<vmem>>, %arg7: memref<79x128xi32, #tpu.memory_space<vmem>>, %arg8: memref<128x128xf32, #tpu.memory_space<vmem>>, %arg9: memref<10240x128xf32, #tpu.memory_space<vmem_shared>>, %arg10: memref<!tpu.dma_semaphore, #tpu.memory_space<semaphore_mem>>) attributes {dimension_semantics = [#tpu.dimension_semantics<core_parallel>, #tpu.dimension_semantics<subcore_parallel>], iteration_bounds = array<i64: 2, 16>, scalar_prefetch = 0 : i64, scratch_operands = 5 : i64, tpu.core_type = #tpu.core_type<sc_vector_subcore>, window_params = [{transform_indices = #map}, {transform_indices = #map}, {transform_indices = #map1}, {transform_indices = #map1}]} {
    %mul3A = arith.constant 2 : i32
    %mul3A_0 = arith.muli %arg1, %mul3A : i32
    %add3A = arith.addi %mul3A_0, %arg0 : i32
    %broadcast_in_dim3A = arith.constant 0.000000e+00 : f32
    %broadcast_in_dim3A_1 = vector.broadcast %broadcast_in_dim3A : f32 to vector<16xf32>
    %scan3A = arith.constant 0 : i32
    %scan3A_2 = arith.constant 0 : i32
    %scan3A_3 = arith.constant 128 : i32
    %scan3A_4 = arith.addi %scan3A_2, %scan3A_3 : i32
    %scan3A_5 = arith.constant 1 : i32
    scf.for %scan3A_51 = %scan3A_2 to %scan3A_4 step %scan3A_5  : i32 {
      %swap3A = arith.index_cast %scan3A_51 : i32 to index
      %swap3A_52 = arith.constant 0 : index
      %swap3A_53 = tpu.vector_load %arg8[%swap3A, %swap3A_52] {strides = array<i32>} : memref<128x128xf32, #tpu.memory_space<vmem>>, vector<1x16xf32>,
      %swap3A_54 = vector.shape_cast %swap3A_53 : vector<1x16xf32> to vector<16xf32>
      %swap3A_55 = vector.shape_cast %broadcast_in_dim3A_1 : vector<16xf32> to vector<1x16xf32>
      tpu.vector_store %arg8[%swap3A, %swap3A_52], %swap3A_55 {strides = array<i32>} : memref<128x128xf32, #tpu.memory_space<vmem>>, vector<1x16xf32>,
      %swap3A_56 = arith.index_cast %scan3A_51 : i32 to index
      %swap3A_57 = arith.constant 16 : index
      %swap3A_58 = tpu.vector_load %arg8[%swap3A_56, %swap3A_57] {strides = array<i32>} : memref<128x128xf32, #tpu.memory_space<vmem>>, vector<1x16xf32>,
      %swap3A_59 = vector.shape_cast %swap3A_58 : vector<1x16xf32> to vector<16xf32>
      %swap3A_60 = vector.shape_cast %broadcast_in_dim3A_1 : vector<16xf32> to vector<1x16xf32>
      tpu.vector_store %arg8[%swap3A_56, %swap3A_57], %swap3A_60 {strides = array<i32>} : memref<128x128xf32, #tpu.memory_space<vmem>>, vector<1x16xf32>,
      %swap3A_61 = arith.index_cast %scan3A_51 : i32 to index
      %swap3A_62 = arith.constant 32 : index
      %swap3A_63 = tpu.vector_load %arg8[%swap3A_61, %swap3A_62] {strides = array<i32>} : memref<128x128xf32, #tpu.memory_space<vmem>>, vector<1x16xf32>,
      %swap3A_64 = vector.shape_cast %swap3A_63 : vector<1x16xf32> to vector<16xf32>
      %swap3A_65 = vector.shape_cast %broadcast_in_dim3A_1 : vector<16xf32> to vector<1x16xf32>
      tpu.vector_store %arg8[%swap3A_61, %swap3A_62], %swap3A_65 {strides = array<i32>} : memref<128x128xf32, #tpu.memory_space<vmem>>, vector<1x16xf32>,
      %swap3A_66 = arith.index_cast %scan3A_51 : i32 to index
      %swap3A_67 = arith.constant 48 : index
      %swap3A_68 = tpu.vector_load %arg8[%swap3A_66, %swap3A_67] {strides = array<i32>} : memref<128x128xf32, #tpu.memory_space<vmem>>, vector<1x16xf32>,
      %swap3A_69 = vector.shape_cast %swap3A_68 : vector<1x16xf32> to vector<16xf32>
      %swap3A_70 = vector.shape_cast %broadcast_in_dim3A_1 : vector<16xf32> to vector<1x16xf32>
      tpu.vector_store %arg8[%swap3A_66, %swap3A_67], %swap3A_70 {strides = array<i32>} : memref<128x128xf32, #tpu.memory_space<vmem>>, vector<1x16xf32>,
      %swap3A_71 = arith.index_cast %scan3A_51 : i32 to index
      %swap3A_72 = arith.constant 64 : index
      %swap3A_73 = tpu.vector_load %arg8[%swap3A_71, %swap3A_72] {strides = array<i32>} : memref<128x128xf32, #tpu.memory_space<vmem>>, vector<1x16xf32>,
      %swap3A_74 = vector.shape_cast %swap3A_73 : vector<1x16xf32> to vector<16xf32>
      %swap3A_75 = vector.shape_cast %broadcast_in_dim3A_1 : vector<16xf32> to vector<1x16xf32>
      tpu.vector_store %arg8[%swap3A_71, %swap3A_72], %swap3A_75 {strides = array<i32>} : memref<128x128xf32, #tpu.memory_space<vmem>>, vector<1x16xf32>,
      %swap3A_76 = arith.index_cast %scan3A_51 : i32 to index
      %swap3A_77 = arith.constant 80 : index
      %swap3A_78 = tpu.vector_load %arg8[%swap3A_76, %swap3A_77] {strides = array<i32>} : memref<128x128xf32, #tpu.memory_space<vmem>>, vector<1x16xf32>,
      %swap3A_79 = vector.shape_cast %swap3A_78 : vector<1x16xf32> to vector<16xf32>
      %swap3A_80 = vector.shape_cast %broadcast_in_dim3A_1 : vector<16xf32> to vector<1x16xf32>
      tpu.vector_store %arg8[%swap3A_76, %swap3A_77], %swap3A_80 {strides = array<i32>} : memref<128x128xf32, #tpu.memory_space<vmem>>, vector<1x16xf32>,
      %swap3A_81 = arith.index_cast %scan3A_51 : i32 to index
      %swap3A_82 = arith.constant 96 : index
      %swap3A_83 = tpu.vector_load %arg8[%swap3A_81, %swap3A_82] {strides = array<i32>} : memref<128x128xf32, #tpu.memory_space<vmem>>, vector<1x16xf32>,
      %swap3A_84 = vector.shape_cast %swap3A_83 : vector<1x16xf32> to vector<16xf32>
      %swap3A_85 = vector.shape_cast %broadcast_in_dim3A_1 : vector<16xf32> to vector<1x16xf32>
      tpu.vector_store %arg8[%swap3A_81, %swap3A_82], %swap3A_85 {strides = array<i32>} : memref<128x128xf32, #tpu.memory_space<vmem>>, vector<1x16xf32>,
      %swap3A_86 = arith.index_cast %scan3A_51 : i32 to index
      %swap3A_87 = arith.constant 112 : index
      %swap3A_88 = tpu.vector_load %arg8[%swap3A_86, %swap3A_87] {strides = array<i32>} : memref<128x128xf32, #tpu.memory_space<vmem>>, vector<1x16xf32>,
      %swap3A_89 = vector.shape_cast %swap3A_88 : vector<1x16xf32> to vector<16xf32>
      %swap3A_90 = vector.shape_cast %broadcast_in_dim3A_1 : vector<16xf32> to vector<1x16xf32>
      tpu.vector_store %arg8[%swap3A_86, %swap3A_87], %swap3A_90 {strides = array<i32>} : memref<128x128xf32, #tpu.memory_space<vmem>>, vector<1x16xf32>,
    }
    %scan3A_6 = arith.constant 128 : i32
    %mul3A_7 = arith.constant 640 : i32
    %mul3A_8 = arith.muli %arg1, %mul3A_7 : i32
    %add3A_9 = arith.constant 0 : i32
    %add3A_10 = arith.addi %mul3A_8, %add3A_9 : i32
    "tpu.region"() ({
      %run_scoped3A = tpu.sem_alloc : memref<!tpu.dma_semaphore, #tpu.memory_space<semaphore_mem>>
      %dma_start3A = arith.constant 0 : i32
      %dma_start3A_51 = tpu.memref_slice %arg9[%add3A_10, %dma_start3A] : memref<10240x128xf32, #tpu.memory_space<vmem_shared>> -> memref<128x128xf32, #tpu.memory_space<vmem_shared>>
      %dma_start3A_52 = arith.constant 0 : i32
      %dma_start3A_53 = tpu.memref_slice %arg9[%add3A_10, %dma_start3A_52] : memref<10240x128xf32, #tpu.memory_space<vmem_shared>> -> memref<128x128xf32, #tpu.memory_space<vmem_shared>>
      tpu.enqueue_dma source(%arg8 : memref<128x128xf32, #tpu.memory_space<vmem>>) target(%dma_start3A_53 : memref<128x128xf32, #tpu.memory_space<vmem_shared>>) target_semaphore(%run_scoped3A : memref<!tpu.dma_semaphore, #tpu.memory_space<semaphore_mem>>)
      %dma_wait3A = arith.constant 0 : i32
      %dma_wait3A_54 = tpu.memref_slice %arg9[%add3A_10, %dma_wait3A] : memref<10240x128xf32, #tpu.memory_space<vmem_shared>> -> memref<128x128xf32, #tpu.memory_space<vmem_shared>>
      %dma_wait3A_55 = arith.constant 0 : i32
      %dma_wait3A_56 = tpu.memref_slice %arg9[%add3A_10, %dma_wait3A_55] : memref<10240x128xf32, #tpu.memory_space<vmem_shared>> -> memref<128x128xf32, #tpu.memory_space<vmem_shared>>
      tpu.wait_dma2 semaphore(%run_scoped3A : memref<!tpu.dma_semaphore, #tpu.memory_space<semaphore_mem>>) src(%arg8 : memref<128x128xf32, #tpu.memory_space<vmem>>) dst(%dma_wait3A_56 : memref<128x128xf32, #tpu.memory_space<vmem_shared>>)
      tpu.yield
    }) : () -> ()
    %add3A_11 = arith.constant 128 : i32
    %add3A_12 = arith.addi %mul3A_8, %add3A_11 : i32
    "tpu.region"() ({
      %run_scoped3A = tpu.sem_alloc : memref<!tpu.dma_semaphore, #tpu.memory_space<semaphore_mem>>
      %dma_start3A = arith.constant 0 : i32
      %dma_start3A_51 = tpu.memref_slice %arg9[%add3A_12, %dma_start3A] : memref<10240x128xf32, #tpu.memory_space<vmem_shared>> -> memref<128x128xf32, #tpu.memory_space<vmem_shared>>
      %dma_start3A_52 = arith.constant 0 : i32
      %dma_start3A_53 = tpu.memref_slice %arg9[%add3A_12, %dma_start3A_52] : memref<10240x128xf32, #tpu.memory_space<vmem_shared>> -> memref<128x128xf32, #tpu.memory_space<vmem_shared>>
      tpu.enqueue_dma source(%arg8 : memref<128x128xf32, #tpu.memory_space<vmem>>) target(%dma_start3A_53 : memref<128x128xf32, #tpu.memory_space<vmem_shared>>) target_semaphore(%run_scoped3A : memref<!tpu.dma_semaphore, #tpu.memory_space<semaphore_mem>>)
      %dma_wait3A = arith.constant 0 : i32
      %dma_wait3A_54 = tpu.memref_slice %arg9[%add3A_12, %dma_wait3A] : memref<10240x128xf32, #tpu.memory_space<vmem_shared>> -> memref<128x128xf32, #tpu.memory_space<vmem_shared>>
      %dma_wait3A_55 = arith.constant 0 : i32
      %dma_wait3A_56 = tpu.memref_slice %arg9[%add3A_12, %dma_wait3A_55] : memref<10240x128xf32, #tpu.memory_space<vmem_shared>> -> memref<128x128xf32, #tpu.memory_space<vmem_shared>>
      tpu.wait_dma2 semaphore(%run_scoped3A : memref<!tpu.dma_semaphore, #tpu.memory_space<semaphore_mem>>) src(%arg8 : memref<128x128xf32, #tpu.memory_space<vmem>>) dst(%dma_wait3A_56 : memref<128x128xf32, #tpu.memory_space<vmem_shared>>)
      tpu.yield
    }) : () -> ()
    %add3A_13 = arith.constant 256 : i32
    %add3A_14 = arith.addi %mul3A_8, %add3A_13 : i32
    "tpu.region"() ({
      %run_scoped3A = tpu.sem_alloc : memref<!tpu.dma_semaphore, #tpu.memory_space<semaphore_mem>>
      %dma_start3A = arith.constant 0 : i32
      %dma_start3A_51 = tpu.memref_slice %arg9[%add3A_14, %dma_start3A] : memref<10240x128xf32, #tpu.memory_space<vmem_shared>> -> memref<128x128xf32, #tpu.memory_space<vmem_shared>>
      %dma_start3A_52 = arith.constant 0 : i32
      %dma_start3A_53 = tpu.memref_slice %arg9[%add3A_14, %dma_start3A_52] : memref<10240x128xf32, #tpu.memory_space<vmem_shared>> -> memref<128x128xf32, #tpu.memory_space<vmem_shared>>
      tpu.enqueue_dma source(%arg8 : memref<128x128xf32, #tpu.memory_space<vmem>>) target(%dma_start3A_53 : memref<128x128xf32, #tpu.memory_space<vmem_shared>>) target_semaphore(%run_scoped3A : memref<!tpu.dma_semaphore, #tpu.memory_space<semaphore_mem>>)
      %dma_wait3A = arith.constant 0 : i32
      %dma_wait3A_54 = tpu.memref_slice %arg9[%add3A_14, %dma_wait3A] : memref<10240x128xf32, #tpu.memory_space<vmem_shared>> -> memref<128x128xf32, #tpu.memory_space<vmem_shared>>
      %dma_wait3A_55 = arith.constant 0 : i32
      %dma_wait3A_56 = tpu.memref_slice %arg9[%add3A_14, %dma_wait3A_55] : memref<10240x128xf32, #tpu.memory_space<vmem_shared>> -> memref<128x128xf32, #tpu.memory_space<vmem_shared>>
      tpu.wait_dma2 semaphore(%run_scoped3A : memref<!tpu.dma_semaphore, #tpu.memory_space<semaphore_mem>>) src(%arg8 : memref<128x128xf32, #tpu.memory_space<vmem>>) dst(%dma_wait3A_56 : memref<128x128xf32, #tpu.memory_space<vmem_shared>>)
      tpu.yield
    }) : () -> ()
    %add3A_15 = arith.constant 384 : i32
    %add3A_16 = arith.addi %mul3A_8, %add3A_15 : i32
    "tpu.region"() ({
      %run_scoped3A = tpu.sem_alloc : memref<!tpu.dma_semaphore, #tpu.memory_space<semaphore_mem>>
      %dma_start3A = arith.constant 0 : i32
      %dma_start3A_51 = tpu.memref_slice %arg9[%add3A_16, %dma_start3A] : memref<10240x128xf32, #tpu.memory_space<vmem_shared>> -> memref<128x128xf32, #tpu.memory_space<vmem_shared>>
      %dma_start3A_52 = arith.constant 0 : i32
      %dma_start3A_53 = tpu.memref_slice %arg9[%add3A_16, %dma_start3A_52] : memref<10240x128xf32, #tpu.memory_space<vmem_shared>> -> memref<128x128xf32, #tpu.memory_space<vmem_shared>>
      tpu.enqueue_dma source(%arg8 : memref<128x128xf32, #tpu.memory_space<vmem>>) target(%dma_start3A_53 : memref<128x128xf32, #tpu.memory_space<vmem_shared>>) target_semaphore(%run_scoped3A : memref<!tpu.dma_semaphore, #tpu.memory_space<semaphore_mem>>)
      %dma_wait3A = arith.constant 0 : i32
      %dma_wait3A_54 = tpu.memref_slice %arg9[%add3A_16, %dma_wait3A] : memref<10240x128xf32, #tpu.memory_space<vmem_shared>> -> memref<128x128xf32, #tpu.memory_space<vmem_shared>>
      %dma_wait3A_55 = arith.constant 0 : i32
      %dma_wait3A_56 = tpu.memref_slice %arg9[%add3A_16, %dma_wait3A_55] : memref<10240x128xf32, #tpu.memory_space<vmem_shared>> -> memref<128x128xf32, #tpu.memory_space<vmem_shared>>
      tpu.wait_dma2 semaphore(%run_scoped3A : memref<!tpu.dma_semaphore, #tpu.memory_space<semaphore_mem>>) src(%arg8 : memref<128x128xf32, #tpu.memory_space<vmem>>) dst(%dma_wait3A_56 : memref<128x128xf32, #tpu.memory_space<vmem_shared>>)
      tpu.yield
    }) : () -> ()
    %add3A_17 = arith.constant 512 : i32
    %add3A_18 = arith.addi %mul3A_8, %add3A_17 : i32
    "tpu.region"() ({
      %run_scoped3A = tpu.sem_alloc : memref<!tpu.dma_semaphore, #tpu.memory_space<semaphore_mem>>
      %dma_start3A = arith.constant 0 : i32
      %dma_start3A_51 = tpu.memref_slice %arg9[%add3A_18, %dma_start3A] : memref<10240x128xf32, #tpu.memory_space<vmem_shared>> -> memref<128x128xf32, #tpu.memory_space<vmem_shared>>
      %dma_start3A_52 = arith.constant 0 : i32
      %dma_start3A_53 = tpu.memref_slice %arg9[%add3A_18, %dma_start3A_52] : memref<10240x128xf32, #tpu.memory_space<vmem_shared>> -> memref<128x128xf32, #tpu.memory_space<vmem_shared>>
      tpu.enqueue_dma source(%arg8 : memref<128x128xf32, #tpu.memory_space<vmem>>) target(%dma_start3A_53 : memref<128x128xf32, #tpu.memory_space<vmem_shared>>) target_semaphore(%run_scoped3A : memref<!tpu.dma_semaphore, #tpu.memory_space<semaphore_mem>>)
      %dma_wait3A = arith.constant 0 : i32
      %dma_wait3A_54 = tpu.memref_slice %arg9[%add3A_18, %dma_wait3A] : memref<10240x128xf32, #tpu.memory_space<vmem_shared>> -> memref<128x128xf32, #tpu.memory_space<vmem_shared>>
      %dma_wait3A_55 = arith.constant 0 : i32
      %dma_wait3A_56 = tpu.memref_slice %arg9[%add3A_18, %dma_wait3A_55] : memref<10240x128xf32, #tpu.memory_space<vmem_shared>> -> memref<128x128xf32, #tpu.memory_space<vmem_shared>>
      tpu.wait_dma2 semaphore(%run_scoped3A : memref<!tpu.dma_semaphore, #tpu.memory_space<semaphore_mem>>) src(%arg8 : memref<128x128xf32, #tpu.memory_space<vmem>>) dst(%dma_wait3A_56 : memref<128x128xf32, #tpu.memory_space<vmem_shared>>)
      tpu.yield
    }) : () -> ()
    "tpu.region"() ({
      %run_scoped3A = tpu.sem_alloc : memref<!tpu.dma_semaphore, #tpu.memory_space<semaphore_mem>>
      %dma_start3A = arith.constant 0 : i32
      %dma_start3A_51 = arith.constant 0 : i32
      %dma_start3A_52 = tpu.memref_slice %arg2[%add3A, %dma_start3A, %dma_start3A_51] : memref<32x79x128xi32, #tpu.memory_space<hbm>> -> memref<1x79x128xi32, #tpu.memory_space<hbm>>
      %dma_start3A_53 = tpu.memref_squeeze %dma_start3A_52 : memref<1x79x128xi32, #tpu.memory_space<hbm>> -> memref<79x128xi32, #tpu.memory_space<hbm>>
      %dma_start3A_54 = arith.constant 0 : i32
      %dma_start3A_55 = arith.constant 0 : i32
      %dma_start3A_56 = tpu.memref_slice %arg2[%add3A, %dma_start3A_54, %dma_start3A_55] : memref<32x79x128xi32, #tpu.memory_space<hbm>> -> memref<1x79x128xi32, #tpu.memory_space<hbm>>
      %dma_start3A_57 = tpu.memref_squeeze %dma_start3A_56 : memref<1x79x128xi32, #tpu.memory_space<hbm>> -> memref<79x128xi32, #tpu.memory_space<hbm>>
      tpu.enqueue_dma source(%dma_start3A_57 : memref<79x128xi32, #tpu.memory_space<hbm>>) target(%arg6 : memref<79x128xi32, #tpu.memory_space<vmem>>) target_semaphore(%run_scoped3A : memref<!tpu.dma_semaphore, #tpu.memory_space<semaphore_mem>>)
      %dma_wait3A = arith.constant 0 : i32
      %dma_wait3A_58 = arith.constant 0 : i32
      %dma_wait3A_59 = tpu.memref_slice %arg2[%add3A, %dma_wait3A, %dma_wait3A_58] : memref<32x79x128xi32, #tpu.memory_space<hbm>> -> memref<1x79x128xi32, #tpu.memory_space<hbm>>
      %dma_wait3A_60 = tpu.memref_squeeze %dma_wait3A_59 : memref<1x79x128xi32, #tpu.memory_space<hbm>> -> memref<79x128xi32, #tpu.memory_space<hbm>>
      %dma_wait3A_61 = arith.constant 0 : i32
      %dma_wait3A_62 = arith.constant 0 : i32
      %dma_wait3A_63 = tpu.memref_slice %arg2[%add3A, %dma_wait3A_61, %dma_wait3A_62] : memref<32x79x128xi32, #tpu.memory_space<hbm>> -> memref<1x79x128xi32, #tpu.memory_space<hbm>>
      %dma_wait3A_64 = tpu.memref_squeeze %dma_wait3A_63 : memref<1x79x128xi32, #tpu.memory_space<hbm>> -> memref<79x128xi32, #tpu.memory_space<hbm>>
      tpu.wait_dma2 semaphore(%run_scoped3A : memref<!tpu.dma_semaphore, #tpu.memory_space<semaphore_mem>>) src(%dma_wait3A_64 : memref<79x128xi32, #tpu.memory_space<hbm>>) dst(%arg6 : memref<79x128xi32, #tpu.memory_space<vmem>>)
      tpu.yield
    }) : () -> ()
    "tpu.region"() ({
      %run_scoped3A = tpu.sem_alloc : memref<!tpu.dma_semaphore, #tpu.memory_space<semaphore_mem>>
      %dma_start3A = arith.constant 0 : i32
      %dma_start3A_51 = arith.constant 0 : i32
      %dma_start3A_52 = tpu.memref_slice %arg3[%add3A, %dma_start3A, %dma_start3A_51] : memref<32x79x128xi32, #tpu.memory_space<hbm>> -> memref<1x79x128xi32, #tpu.memory_space<hbm>>
      %dma_start3A_53 = tpu.memref_squeeze %dma_start3A_52 : memref<1x79x128xi32, #tpu.memory_space<hbm>> -> memref<79x128xi32, #tpu.memory_space<hbm>>
      %dma_start3A_54 = arith.constant 0 : i32
      %dma_start3A_55 = arith.constant 0 : i32
      %dma_start3A_56 = tpu.memref_slice %arg3[%add3A, %dma_start3A_54, %dma_start3A_55] : memref<32x79x128xi32, #tpu.memory_space<hbm>> -> memref<1x79x128xi32, #tpu.memory_space<hbm>>
      %dma_start3A_57 = tpu.memref_squeeze %dma_start3A_56 : memref<1x79x128xi32, #tpu.memory_space<hbm>> -> memref<79x128xi32, #tpu.memory_space<hbm>>
      tpu.enqueue_dma source(%dma_start3A_57 : memref<79x128xi32, #tpu.memory_space<hbm>>) target(%arg7 : memref<79x128xi32, #tpu.memory_space<vmem>>) target_semaphore(%run_scoped3A : memref<!tpu.dma_semaphore, #tpu.memory_space<semaphore_mem>>)
      %dma_wait3A = arith.constant 0 : i32
      %dma_wait3A_58 = arith.constant 0 : i32
      %dma_wait3A_59 = tpu.memref_slice %arg3[%add3A, %dma_wait3A, %dma_wait3A_58] : memref<32x79x128xi32, #tpu.memory_space<hbm>> -> memref<1x79x128xi32, #tpu.memory_space<hbm>>
      %dma_wait3A_60 = tpu.memref_squeeze %dma_wait3A_59 : memref<1x79x128xi32, #tpu.memory_space<hbm>> -> memref<79x128xi32, #tpu.memory_space<hbm>>
      %dma_wait3A_61 = arith.constant 0 : i32
      %dma_wait3A_62 = arith.constant 0 : i32
      %dma_wait3A_63 = tpu.memref_slice %arg3[%add3A, %dma_wait3A_61, %dma_wait3A_62] : memref<32x79x128xi32, #tpu.memory_space<hbm>> -> memref<1x79x128xi32, #tpu.memory_space<hbm>>
      %dma_wait3A_64 = tpu.memref_squeeze %dma_wait3A_63 : memref<1x79x128xi32, #tpu.memory_space<hbm>> -> memref<79x128xi32, #tpu.memory_space<hbm>>
      tpu.wait_dma2 semaphore(%run_scoped3A : memref<!tpu.dma_semaphore, #tpu.memory_space<semaphore_mem>>) src(%dma_wait3A_64 : memref<79x128xi32, #tpu.memory_space<hbm>>) dst(%arg7 : memref<79x128xi32, #tpu.memory_space<vmem>>)
      tpu.yield
    }) : () -> ()
    %barrier3A = arith.constant 0 : index
    tpu.barrier barrier_id(%barrier3A)
    %scan3A_19 = arith.constant 0 : i32
    %scan3A_20 = arith.constant 0 : i32
    %scan3A_21 = arith.constant 79 : i32
    %scan3A_22 = arith.addi %scan3A_20, %scan3A_21 : i32
    %scan3A_23 = arith.constant 1 : i32
    scf.for %scan3A_51 = %scan3A_20 to %scan3A_22 step %scan3A_23  : i32 {
      %dma_start3A = arith.constant 0 : i32
      %dma_start3A_52 = tpu.memref_slice %arg6[%scan3A_51, %dma_start3A] : memref<79x128xi32, #tpu.memory_space<vmem>> -> memref<1x128xi32, #tpu.memory_space<vmem>>
      %dma_start3A_53 = tpu.memref_squeeze %dma_start3A_52 : memref<1x128xi32, #tpu.memory_space<vmem>> -> memref<128xi32, #tpu.memory_space<vmem>>
      %dma_start3A_54 = arith.constant 0 : i32
      %dma_start3A_55 = arith.constant 0 : i32
      %dma_start3A_56 = tpu.memref_slice %arg4[%dma_start3A_54, %dma_start3A_55] : memref<10000x128xf32, #tpu.memory_space<hbm>> -> memref<10000x128xf32, #tpu.memory_space<hbm>>
      tpu.enqueue_indirect_dma source(%dma_start3A_56 : memref<10000x128xf32, #tpu.memory_space<hbm>>) target(%arg8 : memref<128x128xf32, #tpu.memory_space<vmem>>) offsets(%dma_start3A_53 : memref<128xi32, #tpu.memory_space<vmem>>) semaphore(%arg10 : memref<!tpu.dma_semaphore, #tpu.memory_space<semaphore_mem>>)
      %dma_wait3A = arith.constant 0 : i32
      %dma_wait3A_57 = tpu.memref_slice %arg6[%scan3A_51, %dma_wait3A] : memref<79x128xi32, #tpu.memory_space<vmem>> -> memref<1x128xi32, #tpu.memory_space<vmem>>
      %dma_wait3A_58 = tpu.memref_squeeze %dma_wait3A_57 : memref<1x128xi32, #tpu.memory_space<vmem>> -> memref<128xi32, #tpu.memory_space<vmem>>
      %dma_wait3A_59 = arith.constant 0 : i32
      %dma_wait3A_60 = arith.constant 0 : i32
      %dma_wait3A_61 = tpu.memref_slice %arg4[%dma_wait3A_59, %dma_wait3A_60] : memref<10000x128xf32, #tpu.memory_space<hbm>> -> memref<10000x128xf32, #tpu.memory_space<hbm>>
      tpu.wait_indirect_dma semaphore(%arg10 : memref<!tpu.dma_semaphore, #tpu.memory_space<semaphore_mem>>) src(%dma_wait3A_61 : memref<10000x128xf32, #tpu.memory_space<hbm>>) dst(%arg8 : memref<128x128xf32, #tpu.memory_space<vmem>>)
      "tpu.region"() ({
        %run_scoped3A = tpu.sem_alloc : memref<!tpu.dma_semaphore, #tpu.memory_space<semaphore_mem>>
        %dma_start3A_62 = arith.constant 0 : i32
        %dma_start3A_63 = tpu.memref_slice %arg7[%scan3A_51, %dma_start3A_62] : memref<79x128xi32, #tpu.memory_space<vmem>> -> memref<1x128xi32, #tpu.memory_space<vmem>>
        %dma_start3A_64 = tpu.memref_squeeze %dma_start3A_63 : memref<1x128xi32, #tpu.memory_space<vmem>> -> memref<128xi32, #tpu.memory_space<vmem>>
        %dma_start3A_65 = arith.constant 0 : i32
        %dma_start3A_66 = arith.constant 0 : i32
        %dma_start3A_67 = tpu.memref_slice %arg9[%dma_start3A_65, %dma_start3A_66] : memref<10240x128xf32, #tpu.memory_space<vmem_shared>> -> memref<10240x128xf32, #tpu.memory_space<vmem_shared>>
        tpu.enqueue_indirect_dma source(%arg8 : memref<128x128xf32, #tpu.memory_space<vmem>>) target(%dma_start3A_67 : memref<10240x128xf32, #tpu.memory_space<vmem_shared>>) offsets(%dma_start3A_64 : memref<128xi32, #tpu.memory_space<vmem>>) semaphore(%run_scoped3A : memref<!tpu.dma_semaphore, #tpu.memory_space<semaphore_mem>>) {add = true}
        %dma_wait3A_68 = arith.constant 0 : i32
        %dma_wait3A_69 = tpu.memref_slice %arg7[%scan3A_51, %dma_wait3A_68] : memref<79x128xi32, #tpu.memory_space<vmem>> -> memref<1x128xi32, #tpu.memory_space<vmem>>
        %dma_wait3A_70 = tpu.memref_squeeze %dma_wait3A_69 : memref<1x128xi32, #tpu.memory_space<vmem>> -> memref<128xi32, #tpu.memory_space<vmem>>
        %dma_wait3A_71 = arith.constant 0 : i32
        %dma_wait3A_72 = arith.constant 0 : i32
        %dma_wait3A_73 = tpu.memref_slice %arg9[%dma_wait3A_71, %dma_wait3A_72] : memref<10240x128xf32, #tpu.memory_space<vmem_shared>> -> memref<10240x128xf32, #tpu.memory_space<vmem_shared>>
        tpu.wait_indirect_dma semaphore(%run_scoped3A : memref<!tpu.dma_semaphore, #tpu.memory_space<semaphore_mem>>) src(%arg8 : memref<128x128xf32, #tpu.memory_space<vmem>>) dst(%dma_wait3A_73 : memref<10240x128xf32, #tpu.memory_space<vmem_shared>>)
        tpu.yield
      }) : () -> ()
    }
    %scan3A_24 = arith.constant 79 : i32
    %barrier3A_25 = arith.constant 0 : index
    tpu.barrier barrier_id(%barrier3A_25)
    %mul3A_26 = arith.constant 10240 : i32
    %mul3A_27 = arith.muli %arg0, %mul3A_26 : i32
    %mul3A_28 = arith.constant 640 : i32
    %mul3A_29 = arith.muli %arg1, %mul3A_28 : i32
    %add3A_30 = arith.addi %mul3A_27, %mul3A_29 : i32
    %add3A_31 = arith.constant 0 : i32
    %add3A_32 = arith.addi %mul3A_8, %add3A_31 : i32
    "tpu.region"() ({
      %run_scoped3A = tpu.sem_alloc : memref<!tpu.dma_semaphore, #tpu.memory_space<semaphore_mem>>
      %dma_start3A = arith.constant 0 : i32
      %dma_start3A_51 = tpu.memref_slice %arg9[%add3A_32, %dma_start3A] : memref<10240x128xf32, #tpu.memory_space<vmem_shared>> -> memref<128x128xf32, #tpu.memory_space<vmem_shared>>
      %dma_start3A_52 = arith.constant 0 : i32
      %dma_start3A_53 = tpu.memref_slice %arg9[%add3A_32, %dma_start3A_52] : memref<10240x128xf32, #tpu.memory_space<vmem_shared>> -> memref<128x128xf32, #tpu.memory_space<vmem_shared>>
      tpu.enqueue_dma source(%dma_start3A_53 : memref<128x128xf32, #tpu.memory_space<vmem_shared>>) target(%arg8 : memref<128x128xf32, #tpu.memory_space<vmem>>) target_semaphore(%run_scoped3A : memref<!tpu.dma_semaphore, #tpu.memory_space<semaphore_mem>>)
      %dma_wait3A = arith.constant 0 : i32
      %dma_wait3A_54 = tpu.memref_slice %arg9[%add3A_32, %dma_wait3A] : memref<10240x128xf32, #tpu.memory_space<vmem_shared>> -> memref<128x128xf32, #tpu.memory_space<vmem_shared>>
      %dma_wait3A_55 = arith.constant 0 : i32
      %dma_wait3A_56 = tpu.memref_slice %arg9[%add3A_32, %dma_wait3A_55] : memref<10240x128xf32, #tpu.memory_space<vmem_shared>> -> memref<128x128xf32, #tpu.memory_space<vmem_shared>>
      tpu.wait_dma2 semaphore(%run_scoped3A : memref<!tpu.dma_semaphore, #tpu.memory_space<semaphore_mem>>) src(%dma_wait3A_56 : memref<128x128xf32, #tpu.memory_space<vmem_shared>>) dst(%arg8 : memref<128x128xf32, #tpu.memory_space<vmem>>)
      tpu.yield
    }) : () -> ()
    %add3A_33 = arith.constant 0 : i32
    %add3A_34 = arith.addi %add3A_30, %add3A_33 : i32
    "tpu.region"() ({
      %run_scoped3A = tpu.sem_alloc : memref<!tpu.dma_semaphore, #tpu.memory_space<semaphore_mem>>
      %dma_start3A = arith.constant 0 : i32
      %dma_start3A_51 = tpu.memref_slice %arg5[%add3A_34, %dma_start3A] : memref<20480x128xf32, #tpu.memory_space<hbm>> -> memref<128x128xf32, #tpu.memory_space<hbm>>
      %dma_start3A_52 = arith.constant 0 : i32
      %dma_start3A_53 = tpu.memref_slice %arg5[%add3A_34, %dma_start3A_52] : memref<20480x128xf32, #tpu.memory_space<hbm>> -> memref<128x128xf32, #tpu.memory_space<hbm>>
      tpu.enqueue_dma source(%arg8 : memref<128x128xf32, #tpu.memory_space<vmem>>) target(%dma_start3A_53 : memref<128x128xf32, #tpu.memory_space<hbm>>) target_semaphore(%run_scoped3A : memref<!tpu.dma_semaphore, #tpu.memory_space<semaphore_mem>>)
      %dma_wait3A = arith.constant 0 : i32
      %dma_wait3A_54 = tpu.memref_slice %arg5[%add3A_34, %dma_wait3A] : memref<20480x128xf32, #tpu.memory_space<hbm>> -> memref<128x128xf32, #tpu.memory_space<hbm>>
      %dma_wait3A_55 = arith.constant 0 : i32
      %dma_wait3A_56 = tpu.memref_slice %arg5[%add3A_34, %dma_wait3A_55] : memref<20480x128xf32, #tpu.memory_space<hbm>> -> memref<128x128xf32, #tpu.memory_space<hbm>>
      tpu.wait_dma2 semaphore(%run_scoped3A : memref<!tpu.dma_semaphore, #tpu.memory_space<semaphore_mem>>) src(%arg8 : memref<128x128xf32, #tpu.memory_space<vmem>>) dst(%dma_wait3A_56 : memref<128x128xf32, #tpu.memory_space<hbm>>)
      tpu.yield
    }) : () -> ()
    %add3A_35 = arith.constant 128 : i32
    %add3A_36 = arith.addi %mul3A_8, %add3A_35 : i32
    "tpu.region"() ({
      %run_scoped3A = tpu.sem_alloc : memref<!tpu.dma_semaphore, #tpu.memory_space<semaphore_mem>>
      %dma_start3A = arith.constant 0 : i32
      %dma_start3A_51 = tpu.memref_slice %arg9[%add3A_36, %dma_start3A] : memref<10240x128xf32, #tpu.memory_space<vmem_shared>> -> memref<128x128xf32, #tpu.memory_space<vmem_shared>>
      %dma_start3A_52 = arith.constant 0 : i32
      %dma_start3A_53 = tpu.memref_slice %arg9[%add3A_36, %dma_start3A_52] : memref<10240x128xf32, #tpu.memory_space<vmem_shared>> -> memref<128x128xf32, #tpu.memory_space<vmem_shared>>
      tpu.enqueue_dma source(%dma_start3A_53 : memref<128x128xf32, #tpu.memory_space<vmem_shared>>) target(%arg8 : memref<128x128xf32, #tpu.memory_space<vmem>>) target_semaphore(%run_scoped3A : memref<!tpu.dma_semaphore, #tpu.memory_space<semaphore_mem>>)
      %dma_wait3A = arith.constant 0 : i32
      %dma_wait3A_54 = tpu.memref_slice %arg9[%add3A_36, %dma_wait3A] : memref<10240x128xf32, #tpu.memory_space<vmem_shared>> -> memref<128x128xf32, #tpu.memory_space<vmem_shared>>
      %dma_wait3A_55 = arith.constant 0 : i32
      %dma_wait3A_56 = tpu.memref_slice %arg9[%add3A_36, %dma_wait3A_55] : memref<10240x128xf32, #tpu.memory_space<vmem_shared>> -> memref<128x128xf32, #tpu.memory_space<vmem_shared>>
      tpu.wait_dma2 semaphore(%run_scoped3A : memref<!tpu.dma_semaphore, #tpu.memory_space<semaphore_mem>>) src(%dma_wait3A_56 : memref<128x128xf32, #tpu.memory_space<vmem_shared>>) dst(%arg8 : memref<128x128xf32, #tpu.memory_space<vmem>>)
      tpu.yield
    }) : () -> ()
    %add3A_37 = arith.constant 128 : i32
    %add3A_38 = arith.addi %add3A_30, %add3A_37 : i32
    "tpu.region"() ({
      %run_scoped3A = tpu.sem_alloc : memref<!tpu.dma_semaphore, #tpu.memory_space<semaphore_mem>>
      %dma_start3A = arith.constant 0 : i32
      %dma_start3A_51 = tpu.memref_slice %arg5[%add3A_38, %dma_start3A] : memref<20480x128xf32, #tpu.memory_space<hbm>> -> memref<128x128xf32, #tpu.memory_space<hbm>>
      %dma_start3A_52 = arith.constant 0 : i32
      %dma_start3A_53 = tpu.memref_slice %arg5[%add3A_38, %dma_start3A_52] : memref<20480x128xf32, #tpu.memory_space<hbm>> -> memref<128x128xf32, #tpu.memory_space<hbm>>
      tpu.enqueue_dma source(%arg8 : memref<128x128xf32, #tpu.memory_space<vmem>>) target(%dma_start3A_53 : memref<128x128xf32, #tpu.memory_space<hbm>>) target_semaphore(%run_scoped3A : memref<!tpu.dma_semaphore, #tpu.memory_space<semaphore_mem>>)
      %dma_wait3A = arith.constant 0 : i32
      %dma_wait3A_54 = tpu.memref_slice %arg5[%add3A_38, %dma_wait3A] : memref<20480x128xf32, #tpu.memory_space<hbm>> -> memref<128x128xf32, #tpu.memory_space<hbm>>
      %dma_wait3A_55 = arith.constant 0 : i32
      %dma_wait3A_56 = tpu.memref_slice %arg5[%add3A_38, %dma_wait3A_55] : memref<20480x128xf32, #tpu.memory_space<hbm>> -> memref<128x128xf32, #tpu.memory_space<hbm>>
      tpu.wait_dma2 semaphore(%run_scoped3A : memref<!tpu.dma_semaphore, #tpu.memory_space<semaphore_mem>>) src(%arg8 : memref<128x128xf32, #tpu.memory_space<vmem>>) dst(%dma_wait3A_56 : memref<128x128xf32, #tpu.memory_space<hbm>>)
      tpu.yield
    }) : () -> ()
    %add3A_39 = arith.constant 256 : i32
    %add3A_40 = arith.addi %mul3A_8, %add3A_39 : i32
    "tpu.region"() ({
      %run_scoped3A = tpu.sem_alloc : memref<!tpu.dma_semaphore, #tpu.memory_space<semaphore_mem>>
      %dma_start3A = arith.constant 0 : i32
      %dma_start3A_51 = tpu.memref_slice %arg9[%add3A_40, %dma_start3A] : memref<10240x128xf32, #tpu.memory_space<vmem_shared>> -> memref<128x128xf32, #tpu.memory_space<vmem_shared>>
      %dma_start3A_52 = arith.constant 0 : i32
      %dma_start3A_53 = tpu.memref_slice %arg9[%add3A_40, %dma_start3A_52] : memref<10240x128xf32, #tpu.memory_space<vmem_shared>> -> memref<128x128xf32, #tpu.memory_space<vmem_shared>>
      tpu.enqueue_dma source(%dma_start3A_53 : memref<128x128xf32, #tpu.memory_space<vmem_shared>>) target(%arg8 : memref<128x128xf32, #tpu.memory_space<vmem>>) target_semaphore(%run_scoped3A : memref<!tpu.dma_semaphore, #tpu.memory_space<semaphore_mem>>)
      %dma_wait3A = arith.constant 0 : i32
      %dma_wait3A_54 = tpu.memref_slice %arg9[%add3A_40, %dma_wait3A] : memref<10240x128xf32, #tpu.memory_space<vmem_shared>> -> memref<128x128xf32, #tpu.memory_space<vmem_shared>>
      %dma_wait3A_55 = arith.constant 0 : i32
      %dma_wait3A_56 = tpu.memref_slice %arg9[%add3A_40, %dma_wait3A_55] : memref<10240x128xf32, #tpu.memory_space<vmem_shared>> -> memref<128x128xf32, #tpu.memory_space<vmem_shared>>
      tpu.wait_dma2 semaphore(%run_scoped3A : memref<!tpu.dma_semaphore, #tpu.memory_space<semaphore_mem>>) src(%dma_wait3A_56 : memref<128x128xf32, #tpu.memory_space<vmem_shared>>) dst(%arg8 : memref<128x128xf32, #tpu.memory_space<vmem>>)
      tpu.yield
    }) : () -> ()
    %add3A_41 = arith.constant 256 : i32
    %add3A_42 = arith.addi %add3A_30, %add3A_41 : i32
    "tpu.region"() ({
      %run_scoped3A = tpu.sem_alloc : memref<!tpu.dma_semaphore, #tpu.memory_space<semaphore_mem>>
      %dma_start3A = arith.constant 0 : i32
      %dma_start3A_51 = tpu.memref_slice %arg5[%add3A_42, %dma_start3A] : memref<20480x128xf32, #tpu.memory_space<hbm>> -> memref<128x128xf32, #tpu.memory_space<hbm>>
      %dma_start3A_52 = arith.constant 0 : i32
      %dma_start3A_53 = tpu.memref_slice %arg5[%add3A_42, %dma_start3A_52] : memref<20480x128xf32, #tpu.memory_space<hbm>> -> memref<128x128xf32, #tpu.memory_space<hbm>>
      tpu.enqueue_dma source(%arg8 : memref<128x128xf32, #tpu.memory_space<vmem>>) target(%dma_start3A_53 : memref<128x128xf32, #tpu.memory_space<hbm>>) target_semaphore(%run_scoped3A : memref<!tpu.dma_semaphore, #tpu.memory_space<semaphore_mem>>)
      %dma_wait3A = arith.constant 0 : i32
      %dma_wait3A_54 = tpu.memref_slice %arg5[%add3A_42, %dma_wait3A] : memref<20480x128xf32, #tpu.memory_space<hbm>> -> memref<128x128xf32, #tpu.memory_space<hbm>>
      %dma_wait3A_55 = arith.constant 0 : i32
      %dma_wait3A_56 = tpu.memref_slice %arg5[%add3A_42, %dma_wait3A_55] : memref<20480x128xf32, #tpu.memory_space<hbm>> -> memref<128x128xf32, #tpu.memory_space<hbm>>
      tpu.wait_dma2 semaphore(%run_scoped3A : memref<!tpu.dma_semaphore, #tpu.memory_space<semaphore_mem>>) src(%arg8 : memref<128x128xf32, #tpu.memory_space<vmem>>) dst(%dma_wait3A_56 : memref<128x128xf32, #tpu.memory_space<hbm>>)
      tpu.yield
    }) : () -> ()
    %add3A_43 = arith.constant 384 : i32
    %add3A_44 = arith.addi %mul3A_8, %add3A_43 : i32
    "tpu.region"() ({
      %run_scoped3A = tpu.sem_alloc : memref<!tpu.dma_semaphore, #tpu.memory_space<semaphore_mem>>
      %dma_start3A = arith.constant 0 : i32
      %dma_start3A_51 = tpu.memref_slice %arg9[%add3A_44, %dma_start3A] : memref<10240x128xf32, #tpu.memory_space<vmem_shared>> -> memref<128x128xf32, #tpu.memory_space<vmem_shared>>
      %dma_start3A_52 = arith.constant 0 : i32
      %dma_start3A_53 = tpu.memref_slice %arg9[%add3A_44, %dma_start3A_52] : memref<10240x128xf32, #tpu.memory_space<vmem_shared>> -> memref<128x128xf32, #tpu.memory_space<vmem_shared>>
      tpu.enqueue_dma source(%dma_start3A_53 : memref<128x128xf32, #tpu.memory_space<vmem_shared>>) target(%arg8 : memref<128x128xf32, #tpu.memory_space<vmem>>) target_semaphore(%run_scoped3A : memref<!tpu.dma_semaphore, #tpu.memory_space<semaphore_mem>>)
      %dma_wait3A = arith.constant 0 : i32
      %dma_wait3A_54 = tpu.memref_slice %arg9[%add3A_44, %dma_wait3A] : memref<10240x128xf32, #tpu.memory_space<vmem_shared>> -> memref<128x128xf32, #tpu.memory_space<vmem_shared>>
      %dma_wait3A_55 = arith.constant 0 : i32
      %dma_wait3A_56 = tpu.memref_slice %arg9[%add3A_44, %dma_wait3A_55] : memref<10240x128xf32, #tpu.memory_space<vmem_shared>> -> memref<128x128xf32, #tpu.memory_space<vmem_shared>>
      tpu.wait_dma2 semaphore(%run_scoped3A : memref<!tpu.dma_semaphore, #tpu.memory_space<semaphore_mem>>) src(%dma_wait3A_56 : memref<128x128xf32, #tpu.memory_space<vmem_shared>>) dst(%arg8 : memref<128x128xf32, #tpu.memory_space<vmem>>)
      tpu.yield
    }) : () -> ()
    %add3A_45 = arith.constant 384 : i32
    %add3A_46 = arith.addi %add3A_30, %add3A_45 : i32
    "tpu.region"() ({
      %run_scoped3A = tpu.sem_alloc : memref<!tpu.dma_semaphore, #tpu.memory_space<semaphore_mem>>
      %dma_start3A = arith.constant 0 : i32
      %dma_start3A_51 = tpu.memref_slice %arg5[%add3A_46, %dma_start3A] : memref<20480x128xf32, #tpu.memory_space<hbm>> -> memref<128x128xf32, #tpu.memory_space<hbm>>
      %dma_start3A_52 = arith.constant 0 : i32
      %dma_start3A_53 = tpu.memref_slice %arg5[%add3A_46, %dma_start3A_52] : memref<20480x128xf32, #tpu.memory_space<hbm>> -> memref<128x128xf32, #tpu.memory_space<hbm>>
      tpu.enqueue_dma source(%arg8 : memref<128x128xf32, #tpu.memory_space<vmem>>) target(%dma_start3A_53 : memref<128x128xf32, #tpu.memory_space<hbm>>) target_semaphore(%run_scoped3A : memref<!tpu.dma_semaphore, #tpu.memory_space<semaphore_mem>>)
      %dma_wait3A = arith.constant 0 : i32
      %dma_wait3A_54 = tpu.memref_slice %arg5[%add3A_46, %dma_wait3A] : memref<20480x128xf32, #tpu.memory_space<hbm>> -> memref<128x128xf32, #tpu.memory_space<hbm>>
      %dma_wait3A_55 = arith.constant 0 : i32
      %dma_wait3A_56 = tpu.memref_slice %arg5[%add3A_46, %dma_wait3A_55] : memref<20480x128xf32, #tpu.memory_space<hbm>> -> memref<128x128xf32, #tpu.memory_space<hbm>>
      tpu.wait_dma2 semaphore(%run_scoped3A : memref<!tpu.dma_semaphore, #tpu.memory_space<semaphore_mem>>) src(%arg8 : memref<128x128xf32, #tpu.memory_space<vmem>>) dst(%dma_wait3A_56 : memref<128x128xf32, #tpu.memory_space<hbm>>)
      tpu.yield
    }) : () -> ()
    %add3A_47 = arith.constant 512 : i32
    %add3A_48 = arith.addi %mul3A_8, %add3A_47 : i32
    "tpu.region"() ({
      %run_scoped3A = tpu.sem_alloc : memref<!tpu.dma_semaphore, #tpu.memory_space<semaphore_mem>>
      %dma_start3A = arith.constant 0 : i32
      %dma_start3A_51 = tpu.memref_slice %arg9[%add3A_48, %dma_start3A] : memref<10240x128xf32, #tpu.memory_space<vmem_shared>> -> memref<128x128xf32, #tpu.memory_space<vmem_shared>>
      %dma_start3A_52 = arith.constant 0 : i32
      %dma_start3A_53 = tpu.memref_slice %arg9[%add3A_48, %dma_start3A_52] : memref<10240x128xf32, #tpu.memory_space<vmem_shared>> -> memref<128x128xf32, #tpu.memory_space<vmem_shared>>
      tpu.enqueue_dma source(%dma_start3A_53 : memref<128x128xf32, #tpu.memory_space<vmem_shared>>) target(%arg8 : memref<128x128xf32, #tpu.memory_space<vmem>>) target_semaphore(%run_scoped3A : memref<!tpu.dma_semaphore, #tpu.memory_space<semaphore_mem>>)
      %dma_wait3A = arith.constant 0 : i32
      %dma_wait3A_54 = tpu.memref_slice %arg9[%add3A_48, %dma_wait3A] : memref<10240x128xf32, #tpu.memory_space<vmem_shared>> -> memref<128x128xf32, #tpu.memory_space<vmem_shared>>
      %dma_wait3A_55 = arith.constant 0 : i32
      %dma_wait3A_56 = tpu.memref_slice %arg9[%add3A_48, %dma_wait3A_55] : memref<10240x128xf32, #tpu.memory_space<vmem_shared>> -> memref<128x128xf32, #tpu.memory_space<vmem_shared>>
      tpu.wait_dma2 semaphore(%run_scoped3A : memref<!tpu.dma_semaphore, #tpu.memory_space<semaphore_mem>>) src(%dma_wait3A_56 : memref<128x128xf32, #tpu.memory_space<vmem_shared>>) dst(%arg8 : memref<128x128xf32, #tpu.memory_space<vmem>>)
      tpu.yield
    }) : () -> ()
    %add3A_49 = arith.constant 512 : i32
    %add3A_50 = arith.addi %add3A_30, %add3A_49 : i32
    "tpu.region"() ({
      %run_scoped3A = tpu.sem_alloc : memref<!tpu.dma_semaphore, #tpu.memory_space<semaphore_mem>>
      %dma_start3A = arith.constant 0 : i32
      %dma_start3A_51 = tpu.memref_slice %arg5[%add3A_50, %dma_start3A] : memref<20480x128xf32, #tpu.memory_space<hbm>> -> memref<128x128xf32, #tpu.memory_space<hbm>>
      %dma_start3A_52 = arith.constant 0 : i32
      %dma_start3A_53 = tpu.memref_slice %arg5[%add3A_50, %dma_start3A_52] : memref<20480x128xf32, #tpu.memory_space<hbm>> -> memref<128x128xf32, #tpu.memory_space<hbm>>
      tpu.enqueue_dma source(%arg8 : memref<128x128xf32, #tpu.memory_space<vmem>>) target(%dma_start3A_53 : memref<128x128xf32, #tpu.memory_space<hbm>>) target_semaphore(%run_scoped3A : memref<!tpu.dma_semaphore, #tpu.memory_space<semaphore_mem>>)
      %dma_wait3A = arith.constant 0 : i32
      %dma_wait3A_54 = tpu.memref_slice %arg5[%add3A_50, %dma_wait3A] : memref<20480x128xf32, #tpu.memory_space<hbm>> -> memref<128x128xf32, #tpu.memory_space<hbm>>
      %dma_wait3A_55 = arith.constant 0 : i32
      %dma_wait3A_56 = tpu.memref_slice %arg5[%add3A_50, %dma_wait3A_55] : memref<20480x128xf32, #tpu.memory_space<hbm>> -> memref<128x128xf32, #tpu.memory_space<hbm>>
      tpu.wait_dma2 semaphore(%run_scoped3A : memref<!tpu.dma_semaphore, #tpu.memory_space<semaphore_mem>>) src(%arg8 : memref<128x128xf32, #tpu.memory_space<vmem>>) dst(%dma_wait3A_56 : memref<128x128xf32, #tpu.memory_space<hbm>>)
      tpu.yield
    }) : () -> ()
    return
  }
}

#map = affine_map<(d0, d1) -> (0, 0, 0)>
#map1 = affine_map<(d0, d1) -> (0, 0)>
module attributes {stable_mosaic.version = 14 : i64} {
  func.func @_deg_kernel(%arg0: i32, %arg1: i32, %arg2: memref<32x79x128xi32, #tpu.memory_space<hbm>>, %arg3: memref<2x10000xf32, #tpu.memory_space<hbm>>, %arg4: memref<79x128xi32, #tpu.memory_space<vmem>>, %arg5: memref<128xf32, #tpu.memory_space<vmem>>, %arg6: memref<10000xf32, #tpu.memory_space<vmem>>, %arg7: memref<10008xf32, #tpu.memory_space<vmem_shared>>) attributes {dimension_semantics = [#tpu.dimension_semantics<core_parallel>, #tpu.dimension_semantics<subcore_parallel>], iteration_bounds = array<i64: 2, 16>, scalar_prefetch = 0 : i64, scratch_operands = 4 : i64, tpu.core_type = #tpu.core_type<sc_vector_subcore>, window_params = [{transform_indices = #map}, {transform_indices = #map1}]} {
    %mul3A = arith.constant 2 : i32
    %mul3A_0 = arith.muli %arg1, %mul3A : i32
    %add3A = arith.addi %mul3A_0, %arg0 : i32
    %broadcast_in_dim3A = arith.constant 1.000000e+00 : f32
    %broadcast_in_dim3A_1 = vector.broadcast %broadcast_in_dim3A : f32 to vector<16xf32>
    %swap3A = arith.constant 0 : index
    %swap3A_2 = tpu.vector_load %arg5[%swap3A] {strides = array<i32>} : memref<128xf32, #tpu.memory_space<vmem>>, vector<16xf32>,
    %swap3A_3 = vector.shape_cast %swap3A_2 : vector<16xf32> to vector<16xf32>
    %swap3A_4 = vector.shape_cast %broadcast_in_dim3A_1 : vector<16xf32> to vector<16xf32>
    tpu.vector_store %arg5[%swap3A], %swap3A_4 {strides = array<i32>} : memref<128xf32, #tpu.memory_space<vmem>>, vector<16xf32>,
    %swap3A_5 = arith.constant 16 : index
    %swap3A_6 = tpu.vector_load %arg5[%swap3A_5] {strides = array<i32>} : memref<128xf32, #tpu.memory_space<vmem>>, vector<16xf32>,
    %swap3A_7 = vector.shape_cast %swap3A_6 : vector<16xf32> to vector<16xf32>
    %swap3A_8 = vector.shape_cast %broadcast_in_dim3A_1 : vector<16xf32> to vector<16xf32>
    tpu.vector_store %arg5[%swap3A_5], %swap3A_8 {strides = array<i32>} : memref<128xf32, #tpu.memory_space<vmem>>, vector<16xf32>,
    %swap3A_9 = arith.constant 32 : index
    %swap3A_10 = tpu.vector_load %arg5[%swap3A_9] {strides = array<i32>} : memref<128xf32, #tpu.memory_space<vmem>>, vector<16xf32>,
    %swap3A_11 = vector.shape_cast %swap3A_10 : vector<16xf32> to vector<16xf32>
    %swap3A_12 = vector.shape_cast %broadcast_in_dim3A_1 : vector<16xf32> to vector<16xf32>
    tpu.vector_store %arg5[%swap3A_9], %swap3A_12 {strides = array<i32>} : memref<128xf32, #tpu.memory_space<vmem>>, vector<16xf32>,
    %swap3A_13 = arith.constant 48 : index
    %swap3A_14 = tpu.vector_load %arg5[%swap3A_13] {strides = array<i32>} : memref<128xf32, #tpu.memory_space<vmem>>, vector<16xf32>,
    %swap3A_15 = vector.shape_cast %swap3A_14 : vector<16xf32> to vector<16xf32>
    %swap3A_16 = vector.shape_cast %broadcast_in_dim3A_1 : vector<16xf32> to vector<16xf32>
    tpu.vector_store %arg5[%swap3A_13], %swap3A_16 {strides = array<i32>} : memref<128xf32, #tpu.memory_space<vmem>>, vector<16xf32>,
    %swap3A_17 = arith.constant 64 : index
    %swap3A_18 = tpu.vector_load %arg5[%swap3A_17] {strides = array<i32>} : memref<128xf32, #tpu.memory_space<vmem>>, vector<16xf32>,
    %swap3A_19 = vector.shape_cast %swap3A_18 : vector<16xf32> to vector<16xf32>
    %swap3A_20 = vector.shape_cast %broadcast_in_dim3A_1 : vector<16xf32> to vector<16xf32>
    tpu.vector_store %arg5[%swap3A_17], %swap3A_20 {strides = array<i32>} : memref<128xf32, #tpu.memory_space<vmem>>, vector<16xf32>,
    %swap3A_21 = arith.constant 80 : index
    %swap3A_22 = tpu.vector_load %arg5[%swap3A_21] {strides = array<i32>} : memref<128xf32, #tpu.memory_space<vmem>>, vector<16xf32>,
    %swap3A_23 = vector.shape_cast %swap3A_22 : vector<16xf32> to vector<16xf32>
    %swap3A_24 = vector.shape_cast %broadcast_in_dim3A_1 : vector<16xf32> to vector<16xf32>
    tpu.vector_store %arg5[%swap3A_21], %swap3A_24 {strides = array<i32>} : memref<128xf32, #tpu.memory_space<vmem>>, vector<16xf32>,
    %swap3A_25 = arith.constant 96 : index
    %swap3A_26 = tpu.vector_load %arg5[%swap3A_25] {strides = array<i32>} : memref<128xf32, #tpu.memory_space<vmem>>, vector<16xf32>,
    %swap3A_27 = vector.shape_cast %swap3A_26 : vector<16xf32> to vector<16xf32>
    %swap3A_28 = vector.shape_cast %broadcast_in_dim3A_1 : vector<16xf32> to vector<16xf32>
    tpu.vector_store %arg5[%swap3A_25], %swap3A_28 {strides = array<i32>} : memref<128xf32, #tpu.memory_space<vmem>>, vector<16xf32>,
    %swap3A_29 = arith.constant 112 : index
    %swap3A_30 = tpu.vector_load %arg5[%swap3A_29] {strides = array<i32>} : memref<128xf32, #tpu.memory_space<vmem>>, vector<16xf32>,
    %swap3A_31 = vector.shape_cast %swap3A_30 : vector<16xf32> to vector<16xf32>
    %swap3A_32 = vector.shape_cast %broadcast_in_dim3A_1 : vector<16xf32> to vector<16xf32>
    tpu.vector_store %arg5[%swap3A_29], %swap3A_32 {strides = array<i32>} : memref<128xf32, #tpu.memory_space<vmem>>, vector<16xf32>,
    %eq3A = arith.constant 0 : i32
    %eq3A_33 = arith.cmpi eq, %arg1, %eq3A : i32
    %convert_element_type3A = arith.extui %eq3A_33 : i1 to i32
    %cond3A = arith.constant 0 : i32
    %cond3A_34 = arith.cmpi ne, %convert_element_type3A, %cond3A : i32
    scf.if %cond3A_34 {
      %scan3A_46 = arith.constant 0 : i32
      %scan3A_47 = arith.constant 0 : i32
      %scan3A_48 = arith.constant 625 : i32
      %scan3A_49 = arith.addi %scan3A_47, %scan3A_48 : i32
      %scan3A_50 = arith.constant 1 : i32
      scf.for %scan3A_52 = %scan3A_47 to %scan3A_49 step %scan3A_50  : i32 {
        %broadcast_in_dim3A_53 = arith.constant 0.000000e+00 : f32
        %broadcast_in_dim3A_54 = vector.broadcast %broadcast_in_dim3A_53 : f32 to vector<16xf32>
        %mul3A_55 = arith.constant 16 : i32
        %mul3A_56 = arith.muli %scan3A_52, %mul3A_55 : i32
        %swap3A_57 = arith.index_cast %mul3A_56 : i32 to index
        %swap3A_58 = tpu.vector_load %arg6[%swap3A_57] {strides = array<i32>} : memref<10000xf32, #tpu.memory_space<vmem>>, vector<16xf32>,
        %swap3A_59 = vector.shape_cast %swap3A_58 : vector<16xf32> to vector<16xf32>
        %swap3A_60 = vector.shape_cast %broadcast_in_dim3A_54 : vector<16xf32> to vector<16xf32>
        tpu.vector_store %arg6[%swap3A_57], %swap3A_60 {strides = array<i32>} : memref<10000xf32, #tpu.memory_space<vmem>>, vector<16xf32>,
      }
      %scan3A_51 = arith.constant 625 : i32
      "tpu.region"() ({
        %run_scoped3A = tpu.sem_alloc : memref<!tpu.dma_semaphore, #tpu.memory_space<semaphore_mem>>
        %dma_start3A = arith.constant 0 : i32
        %dma_start3A_52 = tpu.memref_slice %arg7[%dma_start3A] : memref<10008xf32, #tpu.memory_space<vmem_shared>> -> memref<10000xf32, #tpu.memory_space<vmem_shared>>
        %dma_start3A_53 = arith.constant 0 : i32
        %dma_start3A_54 = tpu.memref_slice %arg7[%dma_start3A_53] : memref<10008xf32, #tpu.memory_space<vmem_shared>> -> memref<10000xf32, #tpu.memory_space<vmem_shared>>
        tpu.enqueue_dma source(%arg6 : memref<10000xf32, #tpu.memory_space<vmem>>) target(%dma_start3A_54 : memref<10000xf32, #tpu.memory_space<vmem_shared>>) target_semaphore(%run_scoped3A : memref<!tpu.dma_semaphore, #tpu.memory_space<semaphore_mem>>)
        %dma_wait3A = arith.constant 0 : i32
        %dma_wait3A_55 = tpu.memref_slice %arg7[%dma_wait3A] : memref<10008xf32, #tpu.memory_space<vmem_shared>> -> memref<10000xf32, #tpu.memory_space<vmem_shared>>
        %dma_wait3A_56 = arith.constant 0 : i32
        %dma_wait3A_57 = tpu.memref_slice %arg7[%dma_wait3A_56] : memref<10008xf32, #tpu.memory_space<vmem_shared>> -> memref<10000xf32, #tpu.memory_space<vmem_shared>>
        tpu.wait_dma2 semaphore(%run_scoped3A : memref<!tpu.dma_semaphore, #tpu.memory_space<semaphore_mem>>) src(%arg6 : memref<10000xf32, #tpu.memory_space<vmem>>) dst(%dma_wait3A_57 : memref<10000xf32, #tpu.memory_space<vmem_shared>>)
        tpu.yield
      }) : () -> ()
    } else {
    }
    "tpu.region"() ({
      %run_scoped3A = tpu.sem_alloc : memref<!tpu.dma_semaphore, #tpu.memory_space<semaphore_mem>>
      %dma_start3A = arith.constant 0 : i32
      %dma_start3A_46 = arith.constant 0 : i32
      %dma_start3A_47 = tpu.memref_slice %arg2[%add3A, %dma_start3A, %dma_start3A_46] : memref<32x79x128xi32, #tpu.memory_space<hbm>> -> memref<1x79x128xi32, #tpu.memory_space<hbm>>
      %dma_start3A_48 = tpu.memref_squeeze %dma_start3A_47 : memref<1x79x128xi32, #tpu.memory_space<hbm>> -> memref<79x128xi32, #tpu.memory_space<hbm>>
      %dma_start3A_49 = arith.constant 0 : i32
      %dma_start3A_50 = arith.constant 0 : i32
      %dma_start3A_51 = tpu.memref_slice %arg2[%add3A, %dma_start3A_49, %dma_start3A_50] : memref<32x79x128xi32, #tpu.memory_space<hbm>> -> memref<1x79x128xi32, #tpu.memory_space<hbm>>
      %dma_start3A_52 = tpu.memref_squeeze %dma_start3A_51 : memref<1x79x128xi32, #tpu.memory_space<hbm>> -> memref<79x128xi32, #tpu.memory_space<hbm>>
      tpu.enqueue_dma source(%dma_start3A_52 : memref<79x128xi32, #tpu.memory_space<hbm>>) target(%arg4 : memref<79x128xi32, #tpu.memory_space<vmem>>) target_semaphore(%run_scoped3A : memref<!tpu.dma_semaphore, #tpu.memory_space<semaphore_mem>>)
      %dma_wait3A = arith.constant 0 : i32
      %dma_wait3A_53 = arith.constant 0 : i32
      %dma_wait3A_54 = tpu.memref_slice %arg2[%add3A, %dma_wait3A, %dma_wait3A_53] : memref<32x79x128xi32, #tpu.memory_space<hbm>> -> memref<1x79x128xi32, #tpu.memory_space<hbm>>
      %dma_wait3A_55 = tpu.memref_squeeze %dma_wait3A_54 : memref<1x79x128xi32, #tpu.memory_space<hbm>> -> memref<79x128xi32, #tpu.memory_space<hbm>>
      %dma_wait3A_56 = arith.constant 0 : i32
      %dma_wait3A_57 = arith.constant 0 : i32
      %dma_wait3A_58 = tpu.memref_slice %arg2[%add3A, %dma_wait3A_56, %dma_wait3A_57] : memref<32x79x128xi32, #tpu.memory_space<hbm>> -> memref<1x79x128xi32, #tpu.memory_space<hbm>>
      %dma_wait3A_59 = tpu.memref_squeeze %dma_wait3A_58 : memref<1x79x128xi32, #tpu.memory_space<hbm>> -> memref<79x128xi32, #tpu.memory_space<hbm>>
      tpu.wait_dma2 semaphore(%run_scoped3A : memref<!tpu.dma_semaphore, #tpu.memory_space<semaphore_mem>>) src(%dma_wait3A_59 : memref<79x128xi32, #tpu.memory_space<hbm>>) dst(%arg4 : memref<79x128xi32, #tpu.memory_space<vmem>>)
      tpu.yield
    }) : () -> ()
    %barrier3A = arith.constant 0 : index
    tpu.barrier barrier_id(%barrier3A)
    %scan3A = arith.constant 0 : i32
    %scan3A_35 = arith.constant 0 : i32
    %scan3A_36 = arith.constant 79 : i32
    %scan3A_37 = arith.addi %scan3A_35, %scan3A_36 : i32
    %scan3A_38 = arith.constant 1 : i32
    scf.for %scan3A_46 = %scan3A_35 to %scan3A_37 step %scan3A_38  : i32 {
      "tpu.region"() ({
        %run_scoped3A = tpu.sem_alloc : memref<!tpu.dma_semaphore, #tpu.memory_space<semaphore_mem>>
        %dma_start3A = arith.constant 0 : i32
        %dma_start3A_47 = tpu.memref_slice %arg4[%scan3A_46, %dma_start3A] : memref<79x128xi32, #tpu.memory_space<vmem>> -> memref<1x128xi32, #tpu.memory_space<vmem>>
        %dma_start3A_48 = tpu.memref_squeeze %dma_start3A_47 : memref<1x128xi32, #tpu.memory_space<vmem>> -> memref<128xi32, #tpu.memory_space<vmem>>
        %dma_start3A_49 = arith.constant 0 : i32
        %dma_start3A_50 = tpu.memref_slice %arg7[%dma_start3A_49] : memref<10008xf32, #tpu.memory_space<vmem_shared>> -> memref<10008xf32, #tpu.memory_space<vmem_shared>>
        tpu.enqueue_indirect_dma source(%arg5 : memref<128xf32, #tpu.memory_space<vmem>>) target(%dma_start3A_50 : memref<10008xf32, #tpu.memory_space<vmem_shared>>) offsets(%dma_start3A_48 : memref<128xi32, #tpu.memory_space<vmem>>) semaphore(%run_scoped3A : memref<!tpu.dma_semaphore, #tpu.memory_space<semaphore_mem>>) {add = true}
        %dma_wait3A = arith.constant 0 : i32
        %dma_wait3A_51 = tpu.memref_slice %arg4[%scan3A_46, %dma_wait3A] : memref<79x128xi32, #tpu.memory_space<vmem>> -> memref<1x128xi32, #tpu.memory_space<vmem>>
        %dma_wait3A_52 = tpu.memref_squeeze %dma_wait3A_51 : memref<1x128xi32, #tpu.memory_space<vmem>> -> memref<128xi32, #tpu.memory_space<vmem>>
        %dma_wait3A_53 = arith.constant 0 : i32
        %dma_wait3A_54 = tpu.memref_slice %arg7[%dma_wait3A_53] : memref<10008xf32, #tpu.memory_space<vmem_shared>> -> memref<10008xf32, #tpu.memory_space<vmem_shared>>
        tpu.wait_indirect_dma semaphore(%run_scoped3A : memref<!tpu.dma_semaphore, #tpu.memory_space<semaphore_mem>>) src(%arg5 : memref<128xf32, #tpu.memory_space<vmem>>) dst(%dma_wait3A_54 : memref<10008xf32, #tpu.memory_space<vmem_shared>>)
        tpu.yield
      }) : () -> ()
    }
    %scan3A_39 = arith.constant 79 : i32
    %barrier3A_40 = arith.constant 0 : index
    tpu.barrier barrier_id(%barrier3A_40)
    %eq3A_41 = arith.constant 0 : i32
    %eq3A_42 = arith.cmpi eq, %arg1, %eq3A_41 : i32
    %convert_element_type3A_43 = arith.extui %eq3A_42 : i1 to i32
    %cond3A_44 = arith.constant 0 : i32
    %cond3A_45 = arith.cmpi ne, %convert_element_type3A_43, %cond3A_44 : i32
    scf.if %cond3A_45 {
      "tpu.region"() ({
        %run_scoped3A = tpu.sem_alloc : memref<!tpu.dma_semaphore, #tpu.memory_space<semaphore_mem>>
        %dma_start3A = arith.constant 0 : i32
        %dma_start3A_46 = tpu.memref_slice %arg7[%dma_start3A] : memref<10008xf32, #tpu.memory_space<vmem_shared>> -> memref<10000xf32, #tpu.memory_space<vmem_shared>>
        %dma_start3A_47 = arith.constant 0 : i32
        %dma_start3A_48 = tpu.memref_slice %arg7[%dma_start3A_47] : memref<10008xf32, #tpu.memory_space<vmem_shared>> -> memref<10000xf32, #tpu.memory_space<vmem_shared>>
        tpu.enqueue_dma source(%dma_start3A_48 : memref<10000xf32, #tpu.memory_space<vmem_shared>>) target(%arg6 : memref<10000xf32, #tpu.memory_space<vmem>>) target_semaphore(%run_scoped3A : memref<!tpu.dma_semaphore, #tpu.memory_space<semaphore_mem>>)
        %dma_wait3A = arith.constant 0 : i32
        %dma_wait3A_49 = tpu.memref_slice %arg7[%dma_wait3A] : memref<10008xf32, #tpu.memory_space<vmem_shared>> -> memref<10000xf32, #tpu.memory_space<vmem_shared>>
        %dma_wait3A_50 = arith.constant 0 : i32
        %dma_wait3A_51 = tpu.memref_slice %arg7[%dma_wait3A_50] : memref<10008xf32, #tpu.memory_space<vmem_shared>> -> memref<10000xf32, #tpu.memory_space<vmem_shared>>
        tpu.wait_dma2 semaphore(%run_scoped3A : memref<!tpu.dma_semaphore, #tpu.memory_space<semaphore_mem>>) src(%dma_wait3A_51 : memref<10000xf32, #tpu.memory_space<vmem_shared>>) dst(%arg6 : memref<10000xf32, #tpu.memory_space<vmem>>)
        tpu.yield
      }) : () -> ()
      "tpu.region"() ({
        %run_scoped3A = tpu.sem_alloc : memref<!tpu.dma_semaphore, #tpu.memory_space<semaphore_mem>>
        %dma_start3A = arith.constant 0 : i32
        %dma_start3A_46 = tpu.memref_slice %arg3[%arg0, %dma_start3A] : memref<2x10000xf32, #tpu.memory_space<hbm>> -> memref<1x10000xf32, #tpu.memory_space<hbm>>
        %dma_start3A_47 = tpu.memref_squeeze %dma_start3A_46 : memref<1x10000xf32, #tpu.memory_space<hbm>> -> memref<10000xf32, #tpu.memory_space<hbm>>
        %dma_start3A_48 = arith.constant 0 : i32
        %dma_start3A_49 = tpu.memref_slice %arg3[%arg0, %dma_start3A_48] : memref<2x10000xf32, #tpu.memory_space<hbm>> -> memref<1x10000xf32, #tpu.memory_space<hbm>>
        %dma_start3A_50 = tpu.memref_squeeze %dma_start3A_49 : memref<1x10000xf32, #tpu.memory_space<hbm>> -> memref<10000xf32, #tpu.memory_space<hbm>>
        tpu.enqueue_dma source(%arg6 : memref<10000xf32, #tpu.memory_space<vmem>>) target(%dma_start3A_50 : memref<10000xf32, #tpu.memory_space<hbm>>) target_semaphore(%run_scoped3A : memref<!tpu.dma_semaphore, #tpu.memory_space<semaphore_mem>>)
        %dma_wait3A = arith.constant 0 : i32
        %dma_wait3A_51 = tpu.memref_slice %arg3[%arg0, %dma_wait3A] : memref<2x10000xf32, #tpu.memory_space<hbm>> -> memref<1x10000xf32, #tpu.memory_space<hbm>>
        %dma_wait3A_52 = tpu.memref_squeeze %dma_wait3A_51 : memref<1x10000xf32, #tpu.memory_space<hbm>> -> memref<10000xf32, #tpu.memory_space<hbm>>
        %dma_wait3A_53 = arith.constant 0 : i32
        %dma_wait3A_54 = tpu.memref_slice %arg3[%arg0, %dma_wait3A_53] : memref<2x10000xf32, #tpu.memory_space<hbm>> -> memref<1x10000xf32, #tpu.memory_space<hbm>>
        %dma_wait3A_55 = tpu.memref_squeeze %dma_wait3A_54 : memref<1x10000xf32, #tpu.memory_space<hbm>> -> memref<10000xf32, #tpu.memory_space<hbm>>
        tpu.wait_dma2 semaphore(%run_scoped3A : memref<!tpu.dma_semaphore, #tpu.memory_space<semaphore_mem>>) src(%arg6 : memref<10000xf32, #tpu.memory_space<vmem>>) dst(%dma_wait3A_55 : memref<10000xf32, #tpu.memory_space<hbm>>)
        tpu.yield
      }) : () -> ()
    } else {
    }
    return
  }
}

module attributes {stable_mosaic.version = 14 : i64} {
  func.func @_mm_body(%arg0: i32, %arg1: memref<1000x128xf32, #tpu.memory_space<vmem>>, %arg2: memref<128x128xf32, #tpu.memory_space<vmem>>, %arg3: memref<128x128xf32, #tpu.memory_space<vmem>>, %arg4: memref<1000x1xf32, #tpu.memory_space<vmem>>, %arg5: memref<1000x1xf32, #tpu.memory_space<vmem>>, %arg6: memref<1000x128xf32, #tpu.memory_space<vmem>>, %arg7: memref<1000x128xf32, #tpu.memory_space<vmem>>) attributes {dimension_semantics = [#tpu.dimension_semantics<arbitrary>], iteration_bounds = array<i64: 10>, scalar_prefetch = 0 : i64, scratch_operands = 0 : i64, tpu.core_type = #tpu.core_type<tc>, window_params = [{transform_indices = @transform_0, window_bounds = array<i64: 1000, 128>}, {pipeline_mode = #tpu.pipeline_mode<synchronous>, transform_indices = @transform_1, window_bounds = array<i64: 128, 128>}, {pipeline_mode = #tpu.pipeline_mode<synchronous>, transform_indices = @transform_2, window_bounds = array<i64: 128, 128>}, {transform_indices = @transform_3, window_bounds = array<i64: 1000, 1>}, {transform_indices = @transform_4, window_bounds = array<i64: 1000, 1>}, {transform_indices = @transform_5, window_bounds = array<i64: 1000, 128>}, {transform_indices = @transform_6, window_bounds = array<i64: 1000, 128>}]} {
    %get3A = arith.constant 0 : index
    %get3A_0 = arith.constant 0 : index
    %get3A_1 = vector.load %arg1[%get3A, %get3A_0] : memref<1000x128xf32, #tpu.memory_space<vmem>>, vector<1000x128xf32>
    %get3A_2 = arith.constant 0 : index
    %get3A_3 = arith.constant 0 : index
    %get3A_4 = vector.load %arg4[%get3A_2, %get3A_3] : memref<1000x1xf32, #tpu.memory_space<vmem>>, vector<1000x1xf32>
    %get3A_5 = arith.constant 0 : index
    %get3A_6 = arith.constant 0 : index
    %get3A_7 = vector.load %arg5[%get3A_5, %get3A_6] : memref<1000x1xf32, #tpu.memory_space<vmem>>, vector<1000x1xf32>
    %add3A = arith.addf %get3A_4, %get3A_7 : vector<1000x1xf32>
    %add3A_8 = arith.constant 1.000000e+00 : f32
    %add3A_9 = vector.broadcast %add3A_8 : f32 to vector<1000x1xf32>
    %add3A_10 = arith.addf %add3A, %add3A_9 : vector<1000x1xf32>
    %rsqrt3A = math.rsqrt %add3A_10 : vector<1000x1xf32>
    %get3A_11 = arith.constant 0 : index
    %get3A_12 = arith.constant 0 : index
    %get3A_13 = vector.load %arg2[%get3A_11, %get3A_12] : memref<128x128xf32, #tpu.memory_space<vmem>>, vector<128x128xf32>
    %dot_general3A = arith.constant dense<0.000000e+00> : vector<1000x128xf32>
    %dot_general3A_14 = tpu.matmul %get3A_1, %get3A_13, %dot_general3A {dimension_numbers = #tpu.dot_dimension_numbers<[1], [1], [0], [0], [0, 0, 1, 0], [], []>, transpose_lhs_hint = false} : vector<1000x128xf32>, vector<128x128xf32>, vector<1000x128xf32> -> vector<1000x128xf32>
    %mul3A = vector.broadcast %rsqrt3A : vector<1000x1xf32> to vector<1000x128xf32>
    %mul3A_15 = arith.mulf %dot_general3A_14, %mul3A : vector<1000x128xf32>
    %swap3A = arith.constant 0 : index
    %swap3A_16 = arith.constant 0 : index
    %swap3A_17 = vector.load %arg6[%swap3A, %swap3A_16] : memref<1000x128xf32, #tpu.memory_space<vmem>>, vector<1000x128xf32>
    tpu.vector_store %arg6[%swap3A, %swap3A_16], %mul3A_15 {strides = array<i32>} : memref<1000x128xf32, #tpu.memory_space<vmem>>, vector<1000x128xf32>,
    %get3A_18 = arith.constant 0 : index
    %get3A_19 = arith.constant 0 : index
    %get3A_20 = vector.load %arg3[%get3A_18, %get3A_19] : memref<128x128xf32, #tpu.memory_space<vmem>>, vector<128x128xf32>
    %dot_general3A_21 = arith.constant dense<0.000000e+00> : vector<1000x128xf32>
    %dot_general3A_22 = tpu.matmul %get3A_1, %get3A_20, %dot_general3A_21 {dimension_numbers = #tpu.dot_dimension_numbers<[1], [1], [0], [0], [0, 0, 1, 0], [], []>, transpose_lhs_hint = false} : vector<1000x128xf32>, vector<128x128xf32>, vector<1000x128xf32> -> vector<1000x128xf32>
    %swap3A_23 = arith.constant 0 : index
    %swap3A_24 = arith.constant 0 : index
    %swap3A_25 = vector.load %arg7[%swap3A_23, %swap3A_24] : memref<1000x128xf32, #tpu.memory_space<vmem>>, vector<1000x128xf32>
    tpu.vector_store %arg7[%swap3A_23, %swap3A_24], %dot_general3A_22 {strides = array<i32>} : memref<1000x128xf32, #tpu.memory_space<vmem>>, vector<1000x128xf32>,
    return
  }
  func.func @transform_0(%arg0: i32) -> (i32, i32) {
    %c0_i32 = arith.constant 0 : i32
    %c0_i32_0 = arith.constant 0 : i32
    return %arg0, %c0_i32 : i32, i32
  }
  func.func @transform_1(%arg0: i32) -> (i32, i32) {
    %c0_i32 = arith.constant 0 : i32
    %c0_i32_0 = arith.constant 0 : i32
    %c0_i32_1 = arith.constant 0 : i32
    return %c0_i32, %c0_i32_0 : i32, i32
  }
  func.func @transform_2(%arg0: i32) -> (i32, i32) {
    %c0_i32 = arith.constant 0 : i32
    %c0_i32_0 = arith.constant 0 : i32
    %c0_i32_1 = arith.constant 0 : i32
    return %c0_i32, %c0_i32_0 : i32, i32
  }
  func.func @transform_3(%arg0: i32) -> (i32, i32) {
    %c0_i32 = arith.constant 0 : i32
    %c0_i32_0 = arith.constant 0 : i32
    return %arg0, %c0_i32 : i32, i32
  }
  func.func @transform_4(%arg0: i32) -> (i32, i32) {
    %c0_i32 = arith.constant 0 : i32
    %c0_i32_0 = arith.constant 0 : i32
    return %arg0, %c0_i32 : i32, i32
  }
  func.func @transform_5(%arg0: i32) -> (i32, i32) {
    %c0_i32 = arith.constant 0 : i32
    %c0_i32_0 = arith.constant 0 : i32
    return %arg0, %c0_i32 : i32, i32
  }
  func.func @transform_6(%arg0: i32) -> (i32, i32) {
    %c0_i32 = arith.constant 0 : i32
    %c0_i32_0 = arith.constant 0 : i32
    return %arg0, %c0_i32 : i32, i32
  }
}

module attributes {stable_mosaic.version = 14 : i64} {
  func.func @_fin_body(%arg0: i32, %arg1: memref<1000x128xf32, #tpu.memory_space<vmem>>, %arg2: memref<1000x128xf32, #tpu.memory_space<vmem>>, %arg3: memref<1000x128xf32, #tpu.memory_space<vmem>>, %arg4: memref<1000x128xf32, #tpu.memory_space<vmem>>, %arg5: memref<1000x1xf32, #tpu.memory_space<vmem>>, %arg6: memref<1000x1xf32, #tpu.memory_space<vmem>>, %arg7: memref<1x128xf32, #tpu.memory_space<vmem>>, %arg8: memref<1x128xf32, #tpu.memory_space<vmem>>, %arg9: memref<1x128xf32, #tpu.memory_space<vmem>>, %arg10: memref<1000x128xf32, #tpu.memory_space<vmem>>) attributes {dimension_semantics = [#tpu.dimension_semantics<arbitrary>], iteration_bounds = array<i64: 10>, scalar_prefetch = 0 : i64, scratch_operands = 0 : i64, tpu.core_type = #tpu.core_type<tc>, window_params = [{transform_indices = @transform_0, window_bounds = array<i64: 1000, 128>}, {transform_indices = @transform_1, window_bounds = array<i64: 1000, 128>}, {transform_indices = @transform_2, window_bounds = array<i64: 1000, 128>}, {transform_indices = @transform_3, window_bounds = array<i64: 1000, 128>}, {transform_indices = @transform_4, window_bounds = array<i64: 1000, 1>}, {transform_indices = @transform_5, window_bounds = array<i64: 1000, 1>}, {pipeline_mode = #tpu.pipeline_mode<synchronous>, transform_indices = @transform_6, window_bounds = array<i64: 1, 128>}, {pipeline_mode = #tpu.pipeline_mode<synchronous>, transform_indices = @transform_7, window_bounds = array<i64: 1, 128>}, {pipeline_mode = #tpu.pipeline_mode<synchronous>, transform_indices = @transform_8, window_bounds = array<i64: 1, 128>}, {transform_indices = @transform_9, window_bounds = array<i64: 1000, 128>}]} {
    %get3A = arith.constant 0 : index
    %get3A_0 = arith.constant 0 : index
    %get3A_1 = vector.load %arg5[%get3A, %get3A_0] : memref<1000x1xf32, #tpu.memory_space<vmem>>, vector<1000x1xf32>
    %get3A_2 = arith.constant 0 : index
    %get3A_3 = arith.constant 0 : index
    %get3A_4 = vector.load %arg6[%get3A_2, %get3A_3] : memref<1000x1xf32, #tpu.memory_space<vmem>>, vector<1000x1xf32>
    %add3A = arith.addf %get3A_1, %get3A_4 : vector<1000x1xf32>
    %add3A_5 = arith.constant 1.000000e+00 : f32
    %add3A_6 = vector.broadcast %add3A_5 : f32 to vector<1000x1xf32>
    %add3A_7 = arith.addf %add3A, %add3A_6 : vector<1000x1xf32>
    %rsqrt3A = math.rsqrt %add3A_7 : vector<1000x1xf32>
    %get3A_8 = arith.constant 0 : index
    %get3A_9 = arith.constant 0 : index
    %get3A_10 = vector.load %arg1[%get3A_8, %get3A_9] : memref<1000x128xf32, #tpu.memory_space<vmem>>, vector<1000x128xf32>
    %get3A_11 = arith.constant 0 : index
    %get3A_12 = arith.constant 0 : index
    %get3A_13 = vector.load %arg2[%get3A_11, %get3A_12] : memref<1000x128xf32, #tpu.memory_space<vmem>>, vector<1000x128xf32>
    %add3A_14 = arith.addf %get3A_10, %get3A_13 : vector<1000x128xf32>
    %get3A_15 = arith.constant 0 : index
    %get3A_16 = arith.constant 0 : index
    %get3A_17 = vector.load %arg3[%get3A_15, %get3A_16] : memref<1000x128xf32, #tpu.memory_space<vmem>>, vector<1000x128xf32>
    %add3A_18 = arith.addf %add3A_14, %get3A_17 : vector<1000x128xf32>
    %mul3A = vector.broadcast %rsqrt3A : vector<1000x1xf32> to vector<1000x128xf32>
    %mul3A_19 = arith.mulf %mul3A, %add3A_18 : vector<1000x128xf32>
    %get3A_20 = arith.constant 0 : index
    %get3A_21 = arith.constant 0 : index
    %get3A_22 = vector.load %arg7[%get3A_20, %get3A_21] : memref<1x128xf32, #tpu.memory_space<vmem>>, vector<1x128xf32>
    %add3A_23 = vector.broadcast %get3A_22 : vector<1x128xf32> to vector<1000x128xf32>
    %add3A_24 = arith.addf %mul3A_19, %add3A_23 : vector<1000x128xf32>
    %get3A_25 = arith.constant 0 : index
    %get3A_26 = arith.constant 0 : index
    %get3A_27 = vector.load %arg4[%get3A_25, %get3A_26] : memref<1000x128xf32, #tpu.memory_space<vmem>>, vector<1000x128xf32>
    %add3A_28 = arith.addf %add3A_24, %get3A_27 : vector<1000x128xf32>
    %add3A_29 = arith.constant 9.99999997E-7 : f32
    %add3A_30 = vector.broadcast %add3A_29 : f32 to vector<1000x128xf32>
    %add3A_31 = arith.addf %add3A_28, %add3A_30 : vector<1000x128xf32>
    %reduce_sum3A = arith.constant dense<0.000000e+00> : vector<1000xf32>
    %reduce_sum3A_32 = vector.multi_reduction <add>, %add3A_31, %reduce_sum3A [1] : vector<1000x128xf32> to vector<1000xf32>
    %broadcast_in_dim3A = vector.shape_cast %reduce_sum3A_32 : vector<1000xf32> to vector<1000x1xf32>
    %div3A = arith.constant 1.280000e+02 : f32
    %div3A_33 = vector.broadcast %div3A : f32 to vector<1000x1xf32>
    %div3A_34 = arith.divf %broadcast_in_dim3A, %div3A_33 : vector<1000x1xf32>
    %sub3A = vector.broadcast %div3A_34 : vector<1000x1xf32> to vector<1000x128xf32>
    %sub3A_35 = arith.subf %add3A_31, %sub3A : vector<1000x128xf32>
    %mul3A_36 = arith.mulf %sub3A_35, %sub3A_35 : vector<1000x128xf32>
    %reduce_sum3A_37 = arith.constant dense<0.000000e+00> : vector<1000xf32>
    %reduce_sum3A_38 = vector.multi_reduction <add>, %mul3A_36, %reduce_sum3A_37 [1] : vector<1000x128xf32> to vector<1000xf32>
    %broadcast_in_dim3A_39 = vector.shape_cast %reduce_sum3A_38 : vector<1000xf32> to vector<1000x1xf32>
    %div3A_40 = arith.constant 1.280000e+02 : f32
    %div3A_41 = vector.broadcast %div3A_40 : f32 to vector<1000x1xf32>
    %div3A_42 = arith.divf %broadcast_in_dim3A_39, %div3A_41 : vector<1000x1xf32>
    %add3A_43 = arith.constant 9.99999974E-6 : f32
    %add3A_44 = vector.broadcast %add3A_43 : f32 to vector<1000x1xf32>
    %add3A_45 = arith.addf %div3A_42, %add3A_44 : vector<1000x1xf32>
    %rsqrt3A_46 = math.rsqrt %add3A_45 : vector<1000x1xf32>
    %mul3A_47 = vector.broadcast %rsqrt3A_46 : vector<1000x1xf32> to vector<1000x128xf32>
    %mul3A_48 = arith.mulf %sub3A_35, %mul3A_47 : vector<1000x128xf32>
    %get3A_49 = arith.constant 0 : index
    %get3A_50 = arith.constant 0 : index
    %get3A_51 = vector.load %arg8[%get3A_49, %get3A_50] : memref<1x128xf32, #tpu.memory_space<vmem>>, vector<1x128xf32>
    %mul3A_52 = vector.broadcast %get3A_51 : vector<1x128xf32> to vector<1000x128xf32>
    %mul3A_53 = arith.mulf %mul3A_48, %mul3A_52 : vector<1000x128xf32>
    %get3A_54 = arith.constant 0 : index
    %get3A_55 = arith.constant 0 : index
    %get3A_56 = vector.load %arg9[%get3A_54, %get3A_55] : memref<1x128xf32, #tpu.memory_space<vmem>>, vector<1x128xf32>
    %add3A_57 = vector.broadcast %get3A_56 : vector<1x128xf32> to vector<1000x128xf32>
    %add3A_58 = arith.addf %mul3A_53, %add3A_57 : vector<1000x128xf32>
    %swap3A = arith.constant 0 : index
    %swap3A_59 = arith.constant 0 : index
    %swap3A_60 = vector.load %arg10[%swap3A, %swap3A_59] : memref<1000x128xf32, #tpu.memory_space<vmem>>, vector<1000x128xf32>
    tpu.vector_store %arg10[%swap3A, %swap3A_59], %add3A_58 {strides = array<i32>} : memref<1000x128xf32, #tpu.memory_space<vmem>>, vector<1000x128xf32>,
    return
  }
  func.func @transform_0(%arg0: i32) -> (i32, i32) {
    %c0_i32 = arith.constant 0 : i32
    %c0_i32_0 = arith.constant 0 : i32
    return %arg0, %c0_i32 : i32, i32
  }
  func.func @transform_1(%arg0: i32) -> (i32, i32) {
    %c0_i32 = arith.constant 0 : i32
    %c0_i32_0 = arith.constant 0 : i32
    return %arg0, %c0_i32 : i32, i32
  }
  func.func @transform_2(%arg0: i32) -> (i32, i32) {
    %c0_i32 = arith.constant 0 : i32
    %c0_i32_0 = arith.constant 0 : i32
    return %arg0, %c0_i32 : i32, i32
  }
  func.func @transform_3(%arg0: i32) -> (i32, i32) {
    %c0_i32 = arith.constant 0 : i32
    %c0_i32_0 = arith.constant 0 : i32
    return %arg0, %c0_i32 : i32, i32
  }
  func.func @transform_4(%arg0: i32) -> (i32, i32) {
    %c0_i32 = arith.constant 0 : i32
    %c0_i32_0 = arith.constant 0 : i32
    return %arg0, %c0_i32 : i32, i32
  }
  func.func @transform_5(%arg0: i32) -> (i32, i32) {
    %c0_i32 = arith.constant 0 : i32
    %c0_i32_0 = arith.constant 0 : i32
    return %arg0, %c0_i32 : i32, i32
  }
  func.func @transform_6(%arg0: i32) -> (i32, i32) {
    %c0_i32 = arith.constant 0 : i32
    %c0_i32_0 = arith.constant 0 : i32
    %c0_i32_1 = arith.constant 0 : i32
    return %c0_i32, %c0_i32_0 : i32, i32
  }
  func.func @transform_7(%arg0: i32) -> (i32, i32) {
    %c0_i32 = arith.constant 0 : i32
    %c0_i32_0 = arith.constant 0 : i32
    %c0_i32_1 = arith.constant 0 : i32
    return %c0_i32, %c0_i32_0 : i32, i32
  }
  func.func @transform_8(%arg0: i32) -> (i32, i32) {
    %c0_i32 = arith.constant 0 : i32
    %c0_i32_0 = arith.constant 0 : i32
    %c0_i32_1 = arith.constant 0 : i32
    return %c0_i32, %c0_i32_0 : i32, i32
  }
  func.func @transform_9(%arg0: i32) -> (i32, i32) {
    %c0_i32 = arith.constant 0 : i32
    %c0_i32_0 = arith.constant 0 : i32
    return %arg0, %c0_i32 : i32, i32
  }
}

</mosaic_0001>

<sc_bundles>
// kernel: kernel.6.cloned.1.call-start
scs
__scs_entry_jumppad:
0x0: {  	(pc) =	sbr.rel $0x88, $3  }
0x1: {  	(tag) =	ssettag $0x0;
	lr =	simm.s32 $0x1  }
0x2: {  	[smem:$0x3F9A] =	sst lr;
	_ =	strace $0xD0000000  }
0x3: {  	_ = 	snop  }
0x4: {  	_ = 	snop  }
0x5: {  	_ = 	snop  }
0x6: {  	_ = 	snop  }
0x7: {  	_ = 	snop  }
__scs_overlays_trampoline_lowered:
0x8: {  	[smem:$0x3FA9] =	sst s0  }
0x9: {  	[smem:$0x3FAA] =	sst s1  }
0xa: {  	[smem:$0x3FAB] =	sst s2  }
0xb: {  	[smem:$0x3FAC] =	sst s3  }
0xc: {  	[smem:$0x3FAD] =	sst s4  }
0xd: {  	[smem:$0x3FAE] =	sst s5  }
0xe: {  	[smem:$0x3FAF] =	sst s6  }
0xf: {  	[smem:$0x3FB0] =	sst s7  }
0x10: {  	[smem:$0x3FB1] =	sst s8  }
0x11: {  	[smem:$0x3FB2] =	sst s9;
	s0 =	simm.s32 @!p0 $0x0  }
0x12: {  	s1 =	sld [smem:$0x3F98];
	s0 =	simm.s32 @p0 $0x1  }
0x13: {  	[smem:$0x3FB3] =	sst s0;
	s0 =	simm.s32 @!p1 $0x0  }
0x14: {  	s2 =	sld [smem:$0x3F97];
	s0 =	simm.s32 @p1 $0x1  }
0x15: {  	[smem:$0x3FB4] =	sst s0;
	s0 =	simm.s32 @!p2 $0x0  }
0x16: {  	s3 =	sld [smem:$0x3FDB];
	s0 =	simm.s32 @p2 $0x1  }
0x17: {  	s4 =	simm.s32 $0x1BF5;
	[smem:$0x3FB6] =	sst s0  }
0x18: {  	s0 =	sld [smem:$0x3F99];
	_ =	swait.ge [sflag:s4], $0x0  }
0x19: {  	s7 =	sld [smem:$0x3F9A]  }
0x1a: {  	s8 =	sadd.s32 $0xFFFFE003, lr  }
0x1b: {  	s9 =	sadd.s32 $0xFFFFFEF7, lr;
	s5 =	simm.s32 $0xFFFFFFFF;
	p2 =	slt.u32 s8, $0xFFFFF086  }
0x1c: {  	p1 =	slt.u32 s9, $0xF7A;
	s5 =	simm.s32 @!p2 $0x0  }
0x1d: {  	s5 =	simm.s32 @p1 $0x1;
	p0 =	seq.s32 s7, s2  }
0x1e: {  	s7 =	smul.u32 @!p0 $0xF7A, s2;
	p2 =	seq.s32 @!p0 s5, $0x0  }
0x1f: {  	s9 =	smul.u32 $0xF7A, s1;
	s8 =	simm.s32 @!p0 $0x1BF5;
	p2 =	por !p2, p0  }
0x20: {  	[sflag:s8] =	ssyncset.s32 @!p0 $0xFFFFF086;
	s6 =	sadd.s32 @!p0 s3, s7;
	s7 =	simm.s32 @!p0 $0x108  }
0x21: {  	s3 =	sadd.s32 s3, s9;
	s6 =	sadd.s32 @!p0 $0x88, s6;
	s7 =	simm.s32 @p2 $0x1082  }
0x22: {  	[simem:s7], [sflag:s8] =	dma.local @!p0 [hbm:s6], $0xF7A  }
0x23: {  	s9 =	sor.u32 $0xD0000000, s2;
	s6 =	simm.s32 $0x108;
	_ =	swait.ge @!p0 [sflag:s8], $0x0  }
0x24: {  	s3 =	sadd.s32 $0x88, s3;
	s6 =	simm.s32 @!p1 $0x1082;
	[sflag:s4] =	ssyncset.s32 $0xFFFFF086  }
0x25: {  	[simem:s6], [sflag:s4] =	dma.local [hbm:s3], $0xF7A  }
0x26: {  	[smem:$0x3F9A] =	sst s1;
	(tag) =	ssettag s2;
	_ =	strace s9  }
0x27: {  	s1 =	sld [smem:$0x3FAA]  }
0x28: {  	s2 =	sld [smem:$0x3FAB]  }
0x29: {  	s4 =	sld [smem:$0x3FAD]  }
0x2a: {  	p0 =	seq.s32 s5, $0x0;
	s5 =	sld [smem:$0x3FAE]  }
0x2b: {  	s6 =	sld [smem:$0x3FAF]  }
0x2c: {  	s7 =	sld [smem:$0x3FB0]  }
0x2d: {  	s3 =	simm.s32 $0x108;
	s8 =	sld [smem:$0x3FB1]  }
0x2e: {  	s3 =	simm.s32 @!p0 $0x1082;
	s9 =	sld [smem:$0x3FB2]  }
0x2f: {  	lr =	sadd.s32 s0, s3;
	s0 =	sld [smem:$0x3FA9]  }
0x30: {  	s3 =	sld [smem:$0x3FAC]  }
0x31: {  	[smem:$0x3FB5] =	sst s10  }
0x32: {  	s10 =	sld [smem:$0x3FB3];
	_ =	sdelay $0x3  }
0x33: {  	p0 =	seq.s32 s10, $0x1;
	s10 =	sld [smem:$0x3FB5];
	_ =	sdelay $0x3  }
0x34: {  	[smem:$0x3FB5] =	sst s10  }
0x35: {  	s10 =	sld [smem:$0x3FB4];
	_ =	sdelay $0x3  }
0x36: {  	p1 =	seq.s32 s10, $0x1;
	s10 =	sld [smem:$0x3FB5];
	_ =	sdelay $0x3  }
0x37: {  	[smem:$0x3FB5] =	sst s10  }
0x38: {  	s10 =	sld [smem:$0x3FB6]  }
0x39: {  	_ = 	snop;
	(pc) =	sbr.ind lr, $3  }
0x3a: {  	_ = 	snop  }
0x3b: {  	_ = 	snop  }
0x3c: {  	p2 =	seq.s32 s10, $0x1;
	s10 =	sld [smem:$0x3FB5]  }
0x3d: {  	_ =	shalt  }
0x3e: {  	_ =	shalt  }
0x3f: {  	_ =	shalt  }
0x40: {  	_ =	shalt  }
0x41: {  	_ =	shalt  }
0x42: {  	_ =	shalt  }
0x43: {  	_ =	shalt  }
0x44: {  	_ =	shalt  }
0x45: {  	_ =	shalt  }
0x46: {  	_ =	shalt  }
0x47: {  	_ =	shalt  }
0x48: {  	_ =	shalt  }
0x49: {  	_ =	shalt  }
0x4a: {  	_ =	shalt  }
0x4b: {  	_ =	shalt  }
0x4c: {  	_ =	shalt  }
0x4d: {  	_ =	shalt  }
0x4e: {  	_ =	shalt  }
0x4f: {  	_ =	shalt  }
0x50: {  	_ =	shalt  }
0x51: {  	_ =	shalt  }
0x52: {  	_ =	shalt  }
0x53: {  	_ =	shalt  }
0x54: {  	_ =	shalt  }
0x55: {  	_ =	shalt  }
0x56: {  	_ =	shalt  }
0x57: {  	_ =	shalt  }
0x58: {  	_ =	shalt  }
0x59: {  	_ =	shalt  }
0x5a: {  	_ =	shalt  }
0x5b: {  	_ =	shalt  }
0x5c: {  	_ =	shalt  }
0x5d: {  	_ =	shalt  }
0x5e: {  	_ =	shalt  }
0x5f: {  	_ =	shalt  }
0x60: {  	_ =	shalt  }
0x61: {  	_ =	shalt  }
0x62: {  	_ =	shalt  }
0x63: {  	_ =	shalt  }
0x64: {  	_ =	shalt  }
0x65: {  	_ =	shalt  }
0x66: {  	_ =	shalt  }
0x67: {  	_ =	shalt  }
0x68: {  	_ =	shalt  }
0x69: {  	_ =	shalt  }
0x6a: {  	_ =	shalt  }
0x6b: {  	_ =	shalt  }
0x6c: {  	_ =	shalt  }
0x6d: {  	_ =	shalt  }
0x6e: {  	_ =	shalt  }
0x6f: {  	_ =	shalt  }
0x70: {  	_ =	shalt  }
0x71: {  	_ =	shalt  }
0x72: {  	_ =	shalt  }
0x73: {  	_ =	shalt  }
0x74: {  	_ =	shalt  }
0x75: {  	_ =	shalt  }
0x76: {  	_ =	shalt  }
0x77: {  	_ =	shalt  }
0x78: {  	_ =	shalt  }
0x79: {  	_ =	shalt  }
0x7a: {  	_ =	shalt  }
0x7b: {  	_ =	shalt  }
0x7c: {  	_ =	shalt  }
0x7d: {  	_ =	shalt  }
0x7e: {  	_ =	shalt  }
0x7f: {  	_ =	shalt  }
0x80: {  	_ =	shalt  }
0x81: {  	_ =	shalt  }
0x82: {  	_ =	shalt  }
0x83: {  	_ =	shalt  }
0x84: {  	_ =	shalt  }
0x85: {  	_ =	shalt  }
0x86: {  	_ =	shalt  }
0x87: {  	_ =	shalt  }
.Lfunc_end0:
.L_simem_size_0:
called_computation_lowered:
.L_overlay_start_0:
0x88: {  	s2 =	sld [smem:$0x3FD9]  }
0x89: {  	s3 =	sld [smem:$0x3FFE];
	_ =	sdelay $0x1  }
0x8a: {  	s1 =	srdreg.scid  }
0x8b: {  	s0 =	sand.u32 $0x1, s1  }
0x8c: {  	s17 =	sshll.u32 s0, $0xA;
	s2 =	sadd.s32 s3, s2  }
0x8d: {  	s2 =	sadd.s32 s2, s17  }
0x8e: {  	[smem:$0x3FC1] =	sst s2  }
0x8f: {  	_ = 	snop  }
0x90: {  	s2 =	sld [smem:$0x3FD0];
	(tm) =	ssettm $0x1  }
0x91: {  	s18 =	sld [smem:$0x3FFB];
	_ =	sdelay $0x3  }
0x92: {  	_ =	strace s18  }
0x93: {  	s3 =	sld [smem:$0x3FFC];
	_ =	sdelay $0x3  }
0x94: {  	_ =	strace s3  }
0x95: {  	s3 =	sld [smem:$0x3FFD];
	_ =	sdelay $0x3  }
0x96: {  	_ =	strace s3  }
0x97: {  	_ =	strace $0x8FFFFFFF  }
0x98: {  	s19 =	sld [smem:$0x3FDB];
	_ =	sdelay $0x1  }
0x99: {  	s4 =	simm.s32 $_scs_section_size  }
0x9a: {  	s5 =	simm.s32 $_size__tile_overlayer_lowered;
	s6 =	simm.s32 $_tile_overlayer_lowered  }
0x9b: {  	s22 =	simm.s32 $0x1BFF;
	s21 =	sshll.u32 s6, $0x1;
	s3 =	sadd.s32 s4, s19  }
0x9c: {  	s7 =	simm.s32 $0x0;
	s20 =	sshll.u32 s5, $0x1;
	s5 =	sadd.s32 s21, s3  }
0x9d: {  	[timem:s7], [sflag:s22] =	dma.local [hbm:s5], s20  }
0x9e: {  	_ =	swait.ge [sflag:s22], s20  }
0x9f: {  	s4 =	ssub.s32 $0x0, s20;
	[sflag:s22] =	ssyncset.done $0x0  }
0xa0: {  	[sflag:s22] =	ssyncadd.s32 s4;
	_ =	sdelay $0x1  }
0xa1: {  	s23 =	simm.s32 $0x1B8B  }
0xa2: {  	_ =	swait.ge [sflag:s23], $0x1  }
0xa3: {  	[sflag:s23] =	ssyncset.done $0x0  }
0xa4: {  	s25 =	simm.s32 $0x1B8E;
	s24 =	sld [smem:$0x3FFE];
	[sflag:s23] =	ssyncadd.s32 $0xFFFFFFFF  }
0xa5: {  	s26 =	simm.s32 $execute0_lowered;
	[smem:$0x3FD2] =	sst s25  }
0xa6: {  	s5 =	sshll.u32 s26, $0x1;
	_ =	strace $0x80000046;
	[dreg:$0x1] =	wrdreg $0xFFFFFFFF  }
0xa7: {  	s28 =	simm.s32 $_size_execute0_lowered;
	s3 =	sadd.s32 s3, s5;
	[dreg:$0x0] =	wrdreg $0x0  }
0xa8: {  	s5 =	sshll.u32 s28, $0x1;
	[dreg:$0x2] =	wrdreg s3  }
0xa9: {  	[dreg:$0x3] =	wrdreg s5  }
0xaa: {  	[dreg:$0x4] =	wrdreg $0xC0  }
0xab: {  	_ =	task [dreg:s7], $0x5FFFF  }
0xac: {  	[dreg:$0x1] =	wrdreg $0xFFFFFFFF  }
0xad: {  	[dreg:$0x0] =	wrdreg $0x60  }
0xae: {  	[dreg:$0x2] =	wrdreg s24  }
0xaf: {  	[dreg:$0x3] =	wrdreg s2  }
0xb0: {  	[dreg:$0x4] =	wrdreg $0x50000  }
0xb1: {  	[dreg:$0x5] =	wrdreg $0x9  }
0xb2: {  	_ =	task.clear_ibuf [dreg:s7], $0x6FFFF;
	_ =	strace $0x90000046  }
0xb3: {  	s29 =	simm.s32 $0x9;
	_ =	strace $0x80000048  }
0xb4: {  	_ =	swait.ge [sflag:s29], $0x1  }
0xb5: {  	[sflag:s29] =	ssyncadd.s32 $0xFFFFFFFF  }
0xb6: {  	_ =	strace $0x90000048  }
0xb7: {  	_ =	sfence  }
0xb8: {  	s30 =	sld [smem:$0x0];
	_ =	sdelay $0x2  }
0xb9: {  	s31 =	sshll.u32 s1, $0xD;
	s1 =	sshrl.u32 s1, $0x2  }
0xba: {  	s3 =	sand.u32 $0x4000, s31;
	s1 =	sadd.s32 s1, s30  }
0xbb: {  	s0 =	sor.u32 s3, s0;
	s1 =	sshll.u32 s1, $0x11  }
0xbc: {  	s0 =	sor.u32 s1, s0  }
0xbd: {  	s0 =	sadd.s32 $0x8F2B, s0  }
0xbe: {  	[sflag:s0] =	ssyncadd.remote.s32 $0x1  }
0xbf: {  	_ =	sfence.sel $0xFFFF  }
0xc0: {  	[dreg:$0x0] =	wrdreg $0xFFFFFFFF;
	(pc) =	sbr.abs _section_cstart, $3  }
0xc1: {  	[dreg:$0x1] =	wrdreg $0xFFFFFFFF  }
0xc2: {  	_ =	task.clear_ibuf [dreg:s7], $0x2FFFF;
	_ =	strace $0x9FFFFFFF  }
0xc3: {  	(tm) =	ssettm $0x7FFFFFFF  }
tec
execute0_lowered:
.L_overlay_start_1:
0x0: {  	(tag) =	ssettag $0x1  }
0x1: {  	s3 =	rddreg [dreg:$0x0]  }
0x2: {  	s4 =	rddreg [dreg:$0x1];
	s0 =	srdreg.scid  }
0x3: {  	s6 =	stileid.u32;
	s1 =	rddreg [dreg:$0x2]  }
0x4: {  	s2 =	simm.s32 $0x0;
	s5 =	sand.u32 $0x1, s0;
	s0 =	rddreg [dreg:$0x3]  }
0x5: {  	s9 =	simm.s32 $0x2800;
	s7 =	sshll.u32 s6, $0x1;
	[smem:$0x7FF] =	sst s2  }
0x6: {  	p0 =	sne.s32 s6, $0x0;
	s6 =	simm.s32 $0x2880;
	s7 =	sor.u32 s5, s7  }
0x7: {  	s8 =	ssub.s32 $0x2, s5;
	s5 =	sshll.u32 s5, $0x4;
	s7 =	smul.u32 $0x500, s7  }
0x8: {  	_ =	strace $0x80000047;
	s31 =	sshrl.u32 s8, $0x1;
	s4 =	sadd.s32 s4, s5  }
0x9: {  	s3 =	sadd.s32 s7, s3;
	s7 =	ssub.s32 s8, s31;
	s8 =	simm.s32 $0x80  }
0xa: {  	v0 =	vimm.f32 $1.000000000e+00;
	v1 =	vimm.f32 $0.0e+00;
	s3 =	sadd.s32 $0x1E00, s3;
	s5 =	smax.u32 s7, $0x1;
	s7 =	simm.s32 $0x1  }
.LBB2_1:
0xb: {  	[tilespmem:$0x2800] =	vst v0  }
0xc: {  	[tilespmem:$0x2810] =	vst v0  }
0xd: {  	[tilespmem:$0x2820] =	vst v0  }
.Ltmp0:
0xe: {  	[tilespmem:$0x2830] =	vst v0;
	(pc) =	sbr.rel @p0 .LBB2_5-.Ltmp0, $4  }
0xf: {  	[tilespmem:$0x2840] =	vst v0  }
0x10: {  	[tilespmem:$0x2850] =	vst v0  }
0x11: {  	[tilespmem:$0x2860] =	vst v0  }
0x12: {  	[tilespmem:$0x2870] =	vst v0  }
0x13: {  	s10 =	simm.s32 $0x40;
	s11 =	simm.s32 $0x0  }
.LBB2_3:
0x14: {  	p1 =	sne.s32 s10, $0x9C00;
	[tilespmem:s11+$0x2880] =	vst v1;
	s11 =	smov.u32 s10;
	s10 =	sadd.s32 $0x40, s10  }
.Ltmp1:
0x15: {  	(pc) =	sbr.rel @p1 .LBB2_3-.Ltmp1, $2  }
0x16: {  	_ =	sdelay $0x2  }
0x17: {  	s11 =	sshra.s32 s11, $0x2  }
0x18: {  	[tilespmem:s11+$0x2880] =	vst v1  }
0x19: {  	[spmem:s1] =	stream.linear.scatter [tilespmem:s6], [sflag:$0x1], $0x2710, $0x38;
	[tilespmem:$0x5278] =	vst v63  }
0x1a: {  	_ =	swait.ge [sflag:s7], $0x2710  }
0x1b: {  	[sflag:s7] =	ssyncset.done $0x0  }
0x1c: {  	[sflag:s7] =	ssyncadd.s32 $0xFFFFD8F0  }
.LBB2_5:
0x1d: {  	s10 =	simm.s32 $0x0  }
0x1e: {  	[tilespmem:s10], [sflag:$0x1] =	stream.linear.gather [hbm4b:s3+s10], $0x2780, $0x38;
	[tilespmem:$0x5278] =	vst v63  }
0x1f: {  	_ =	swait.ge [sflag:s7], $0x2780  }
0x20: {  	[sflag:s7] =	ssyncset.done $0x0  }
0x21: {  	[sflag:s7] =	ssyncadd.s32 $0xFFFFD880  }
0x22: {  	s31 =	simm.s32 $0x0;
	[bflag:$0x0] =	sbarrier.arrive $0xFFFF  }
0x23: {  	[spmem:s1] =	stream.indirect.scatter.add.f32 [tilespmem:s9], [sflag:$0x1], $0x1, s31, s8, $0xb8;
	[tilespmem:$0x5278] =	vst v63  }
0x24: {  	_ =	swait.ge [sflag:s7], $0x80  }
0x25: {  	s10 =	simm.s32 $0x200;
	[sflag:s7] =	ssyncset.done $0x0  }
.LBB2_6:
0x26: {  	s11 =	sshra.s32 s10, $0x2;
	[sflag:s7] =	ssyncadd.s32 $0xFFFFFF80;
	p1 =	sne.s32 s10, $0x9C00  }
0x27: {  	[spmem:s1] =	stream.indirect.scatter.add.f32 [tilespmem:s9], [sflag:$0x1], $0x1, s11, s8, $0xb8;
	[tilespmem:$0x5278] =	vst v63  }
.Ltmp2:
0x28: {  	_ = 	snop;
	(pc) =	sbr.rel @p1 .LBB2_6-.Ltmp2, $4  }
0x29: {  	_ = 	snop  }
0x2a: {  	s10 =	sadd.s32 $0x200, s10  }
0x2b: {  	_ =	swait.ge [sflag:s7], $0x80  }
0x2c: {  	[sflag:s7] =	ssyncset.done $0x0  }
0x2d: {  	[sflag:s7] =	ssyncadd.s32 $0xFFFFFF80  }
0x2e: {  	s10 =	simm.s32 @!p0 $0x2880;
	s11 =	simm.s32 @!p0 $0x1;
	[bflag:$0x0] =	sbarrier.arrive $0xFFFF  }
0x2f: {  	[tilespmem:s10], [sflag:$0x1] =	stream.linear.gather @!p0 [spmem:s1], $0x2710, $0x38;
	[tilespmem:$0x5278] =	vst v63  }
0x30: {  	s2 =	sadd.s32 $0x1, s2;
	_ =	swait.ge @!p0 [sflag:s11], $0x2710  }
0x31: {  	s12 =	simm.s32 @!p0 $0x80;
	p1 =	sne.s32 s2, s5;
	[sflag:s11] =	ssyncset.done @!p0 $0x0  }
.Ltmp3:
0x32: {  	s13 =	simm.s32 @!p0 $0x100;
	[sflag:s11] =	ssyncadd.s32 @!p0 $0xFFFFD8F0;
	(pc) =	sbr.rel @p1 .LBB2_1-.Ltmp3, $4  }
0x33: {  	[hbm4b:s4+s12] =	stream.strided.scatter @!p0 [tilespmem:s10], [sflag:$0x1], $0x2780, s13, s12, $0x38;
	[tilespmem:$0x5278] =	vst v63  }
0x34: {  	_ =	swait.ge @!p0 [sflag:s11], $0x2780  }
0x35: {  	[sflag:s11] =	ssyncset.done @!p0 $0x0  }
0x36: {  	[sflag:s11] =	ssyncadd.s32 @!p0 $0xFFFFD880  }
0x37: {  	_ =	sfence.sel $0x180000  }
0x38: {  	[bflag:$0x0] =	sbarrier.arrive $0xFFFF  }
0x39: {  	_ =	strace $0x90000047  }
0x3a: {  	s0 =	sadd.s32 @!p0 $0x100000, s0;
	[bflag:$0x2] =	sbarrier.arrive $0xFFFF  }
0x3b: {  	[sflag:s0] =	ssyncadd.tile.s32 @!p0 $0x1;
	_ =	shalt  }
.Lfunc_end2:
_tile_overlayer_lowered:
.L_overlay_start_2:
0x3c: {  	(tag) =	ssettag $0x2  }
0x3d: {  	s0 =	rddreg [dreg:$0x0];
	s2 =	stileid.u32  }
0x3e: {  	s1 =	rddreg [dreg:$0x1];
	p0 =	sne.s32 s2, $0x0  }
0x3f: {  	s3 =	rddreg [dreg:$0x2];
	[bflag:$0x3] =	sbarrier.arrive $0xFFFF;
	s2 =	simm.s32 @!p0 $0x1C01  }
0x40: {  	[timem:s3], [sflag:s2] =	dma.local @!p0 [hbm:s0], s1  }
0x41: {  	s0 =	simm.s32 @!p0 $0x1  }
0x42: {  	_ =	swait.ge @!p0 [sflag:s0], s1  }
0x43: {  	s1 =	ssub.s32 @!p0 $0x0, s1;
	[sflag:s0] =	ssyncset.done @!p0 $0x0  }
0x44: {  	[sflag:s0] =	ssyncadd.s32 @!p0 s1  }
0x45: {  	[bflag:$0x3] =	sbarrier.arrive $0xFFFF  }
0x46: {  	_ =	shalt  }

// kernel: kernel.9.cloned.1.call-start
scs
__scs_entry_jumppad:
0x0: {  	(pc) =	sbr.rel $0x88, $3  }
0x1: {  	(tag) =	ssettag $0x0;
	lr =	simm.s32 $0x1  }
0x2: {  	[smem:$0x3F9A] =	sst lr;
	_ =	strace $0xD0000000  }
0x3: {  	_ = 	snop  }
0x4: {  	_ = 	snop  }
0x5: {  	_ = 	snop  }
0x6: {  	_ = 	snop  }
0x7: {  	_ = 	snop  }
__scs_overlays_trampoline_lowered:
0x8: {  	[smem:$0x3FA9] =	sst s0  }
0x9: {  	[smem:$0x3FAA] =	sst s1  }
0xa: {  	[smem:$0x3FAB] =	sst s2  }
0xb: {  	[smem:$0x3FAC] =	sst s3  }
0xc: {  	[smem:$0x3FAD] =	sst s4  }
0xd: {  	[smem:$0x3FAE] =	sst s5  }
0xe: {  	[smem:$0x3FAF] =	sst s6  }
0xf: {  	[smem:$0x3FB0] =	sst s7  }
0x10: {  	[smem:$0x3FB1] =	sst s8  }
0x11: {  	[smem:$0x3FB2] =	sst s9;
	s0 =	simm.s32 @!p0 $0x0  }
0x12: {  	s1 =	sld [smem:$0x3F98];
	s0 =	simm.s32 @p0 $0x1  }
0x13: {  	[smem:$0x3FB3] =	sst s0;
	s0 =	simm.s32 @!p1 $0x0  }
0x14: {  	s2 =	sld [smem:$0x3F97];
	s0 =	simm.s32 @p1 $0x1  }
0x15: {  	[smem:$0x3FB4] =	sst s0;
	s0 =	simm.s32 @!p2 $0x0  }
0x16: {  	s3 =	sld [smem:$0x3FDB];
	s0 =	simm.s32 @p2 $0x1  }
0x17: {  	s4 =	simm.s32 $0x1BF5;
	[smem:$0x3FB6] =	sst s0  }
0x18: {  	s0 =	sld [smem:$0x3F99];
	_ =	swait.ge [sflag:s4], $0x0  }
0x19: {  	s7 =	sld [smem:$0x3F9A]  }
0x1a: {  	s8 =	sadd.s32 $0xFFFFE003, lr  }
0x1b: {  	s9 =	sadd.s32 $0xFFFFFEF7, lr;
	s5 =	simm.s32 $0xFFFFFFFF;
	p2 =	slt.u32 s8, $0xFFFFF086  }
0x1c: {  	p1 =	slt.u32 s9, $0xF7A;
	s5 =	simm.s32 @!p2 $0x0  }
0x1d: {  	s5 =	simm.s32 @p1 $0x1;
	p0 =	seq.s32 s7, s2  }
0x1e: {  	s7 =	smul.u32 @!p0 $0xF7A, s2;
	p2 =	seq.s32 @!p0 s5, $0x0  }
0x1f: {  	s9 =	smul.u32 $0xF7A, s1;
	s8 =	simm.s32 @!p0 $0x1BF5;
	p2 =	por !p2, p0  }
0x20: {  	[sflag:s8] =	ssyncset.s32 @!p0 $0xFFFFF086;
	s6 =	sadd.s32 @!p0 s3, s7;
	s7 =	simm.s32 @!p0 $0x108  }
0x21: {  	s3 =	sadd.s32 s3, s9;
	s6 =	sadd.s32 @!p0 $0x88, s6;
	s7 =	simm.s32 @p2 $0x1082  }
0x22: {  	[simem:s7], [sflag:s8] =	dma.local @!p0 [hbm:s6], $0xF7A  }
0x23: {  	s9 =	sor.u32 $0xD0000000, s2;
	s6 =	simm.s32 $0x108;
	_ =	swait.ge @!p0 [sflag:s8], $0x0  }
0x24: {  	s3 =	sadd.s32 $0x88, s3;
	s6 =	simm.s32 @!p1 $0x1082;
	[sflag:s4] =	ssyncset.s32 $0xFFFFF086  }
0x25: {  	[simem:s6], [sflag:s4] =	dma.local [hbm:s3], $0xF7A  }
0x26: {  	[smem:$0x3F9A] =	sst s1;
	(tag) =	ssettag s2;
	_ =	strace s9  }
0x27: {  	s1 =	sld [smem:$0x3FAA]  }
0x28: {  	s2 =	sld [smem:$0x3FAB]  }
0x29: {  	s4 =	sld [smem:$0x3FAD]  }
0x2a: {  	p0 =	seq.s32 s5, $0x0;
	s5 =	sld [smem:$0x3FAE]  }
0x2b: {  	s6 =	sld [smem:$0x3FAF]  }
0x2c: {  	s7 =	sld [smem:$0x3FB0]  }
0x2d: {  	s3 =	simm.s32 $0x108;
	s8 =	sld [smem:$0x3FB1]  }
0x2e: {  	s3 =	simm.s32 @!p0 $0x1082;
	s9 =	sld [smem:$0x3FB2]  }
0x2f: {  	lr =	sadd.s32 s0, s3;
	s0 =	sld [smem:$0x3FA9]  }
0x30: {  	s3 =	sld [smem:$0x3FAC]  }
0x31: {  	[smem:$0x3FB5] =	sst s10  }
0x32: {  	s10 =	sld [smem:$0x3FB3];
	_ =	sdelay $0x3  }
0x33: {  	p0 =	seq.s32 s10, $0x1;
	s10 =	sld [smem:$0x3FB5];
	_ =	sdelay $0x3  }
0x34: {  	[smem:$0x3FB5] =	sst s10  }
0x35: {  	s10 =	sld [smem:$0x3FB4];
	_ =	sdelay $0x3  }
0x36: {  	p1 =	seq.s32 s10, $0x1;
	s10 =	sld [smem:$0x3FB5];
	_ =	sdelay $0x3  }
0x37: {  	[smem:$0x3FB5] =	sst s10  }
0x38: {  	s10 =	sld [smem:$0x3FB6]  }
0x39: {  	_ = 	snop;
	(pc) =	sbr.ind lr, $3  }
0x3a: {  	_ = 	snop  }
0x3b: {  	_ = 	snop  }
0x3c: {  	p2 =	seq.s32 s10, $0x1;
	s10 =	sld [smem:$0x3FB5]  }
0x3d: {  	_ =	shalt  }
0x3e: {  	_ =	shalt  }
0x3f: {  	_ =	shalt  }
0x40: {  	_ =	shalt  }
0x41: {  	_ =	shalt  }
0x42: {  	_ =	shalt  }
0x43: {  	_ =	shalt  }
0x44: {  	_ =	shalt  }
0x45: {  	_ =	shalt  }
0x46: {  	_ =	shalt  }
0x47: {  	_ =	shalt  }
0x48: {  	_ =	shalt  }
0x49: {  	_ =	shalt  }
0x4a: {  	_ =	shalt  }
0x4b: {  	_ =	shalt  }
0x4c: {  	_ =	shalt  }
0x4d: {  	_ =	shalt  }
0x4e: {  	_ =	shalt  }
0x4f: {  	_ =	shalt  }
0x50: {  	_ =	shalt  }
0x51: {  	_ =	shalt  }
0x52: {  	_ =	shalt  }
0x53: {  	_ =	shalt  }
0x54: {  	_ =	shalt  }
0x55: {  	_ =	shalt  }
0x56: {  	_ =	shalt  }
0x57: {  	_ =	shalt  }
0x58: {  	_ =	shalt  }
0x59: {  	_ =	shalt  }
0x5a: {  	_ =	shalt  }
0x5b: {  	_ =	shalt  }
0x5c: {  	_ =	shalt  }
0x5d: {  	_ =	shalt  }
0x5e: {  	_ =	shalt  }
0x5f: {  	_ =	shalt  }
0x60: {  	_ =	shalt  }
0x61: {  	_ =	shalt  }
0x62: {  	_ =	shalt  }
0x63: {  	_ =	shalt  }
0x64: {  	_ =	shalt  }
0x65: {  	_ =	shalt  }
0x66: {  	_ =	shalt  }
0x67: {  	_ =	shalt  }
0x68: {  	_ =	shalt  }
0x69: {  	_ =	shalt  }
0x6a: {  	_ =	shalt  }
0x6b: {  	_ =	shalt  }
0x6c: {  	_ =	shalt  }
0x6d: {  	_ =	shalt  }
0x6e: {  	_ =	shalt  }
0x6f: {  	_ =	shalt  }
0x70: {  	_ =	shalt  }
0x71: {  	_ =	shalt  }
0x72: {  	_ =	shalt  }
0x73: {  	_ =	shalt  }
0x74: {  	_ =	shalt  }
0x75: {  	_ =	shalt  }
0x76: {  	_ =	shalt  }
0x77: {  	_ =	shalt  }
0x78: {  	_ =	shalt  }
0x79: {  	_ =	shalt  }
0x7a: {  	_ =	shalt  }
0x7b: {  	_ =	shalt  }
0x7c: {  	_ =	shalt  }
0x7d: {  	_ =	shalt  }
0x7e: {  	_ =	shalt  }
0x7f: {  	_ =	shalt  }
0x80: {  	_ =	shalt  }
0x81: {  	_ =	shalt  }
0x82: {  	_ =	shalt  }
0x83: {  	_ =	shalt  }
0x84: {  	_ =	shalt  }
0x85: {  	_ =	shalt  }
0x86: {  	_ =	shalt  }
0x87: {  	_ =	shalt  }
.Lfunc_end0:
.L_simem_size_0:
called_computation.1_lowered:
.L_overlay_start_0:
0x88: {  	s2 =	sld [smem:$0x3FD9]  }
0x89: {  	s3 =	sld [smem:$0x3FFE];
	_ =	sdelay $0x1  }
0x8a: {  	s1 =	srdreg.scid  }
0x8b: {  	s0 =	sand.u32 $0x1, s1  }
0x8c: {  	s17 =	sshll.u32 s0, $0xA;
	s2 =	sadd.s32 s3, s2  }
0x8d: {  	s2 =	sadd.s32 s2, s17  }
0x8e: {  	[smem:$0x3FC1] =	sst s2  }
0x8f: {  	_ = 	snop  }
0x90: {  	s2 =	sld [smem:$0x3FD0];
	(tm) =	ssettm $0x1  }
0x91: {  	s18 =	sld [smem:$0x3FFB];
	_ =	sdelay $0x3  }
0x92: {  	_ =	strace s18  }
0x93: {  	s3 =	sld [smem:$0x3FFC];
	_ =	sdelay $0x3  }
0x94: {  	_ =	strace s3  }
0x95: {  	s3 =	sld [smem:$0x3FFD];
	_ =	sdelay $0x3  }
0x96: {  	_ =	strace s3  }
0x97: {  	_ =	strace $0x8FFFFFFF  }
0x98: {  	s19 =	sld [smem:$0x3FDB];
	_ =	sdelay $0x1  }
0x99: {  	s4 =	simm.s32 $_scs_section_size  }
0x9a: {  	s5 =	simm.s32 $_size__tile_overlayer_lowered;
	s6 =	simm.s32 $_tile_overlayer_lowered  }
0x9b: {  	s22 =	simm.s32 $0x1BFF;
	s21 =	sshll.u32 s6, $0x1;
	s3 =	sadd.s32 s4, s19  }
0x9c: {  	s7 =	simm.s32 $0x0;
	s20 =	sshll.u32 s5, $0x1;
	s5 =	sadd.s32 s21, s3  }
0x9d: {  	[timem:s7], [sflag:s22] =	dma.local [hbm:s5], s20  }
0x9e: {  	_ =	swait.ge [sflag:s22], s20  }
0x9f: {  	s4 =	ssub.s32 $0x0, s20;
	[sflag:s22] =	ssyncset.done $0x0  }
0xa0: {  	[sflag:s22] =	ssyncadd.s32 s4;
	_ =	sdelay $0x1  }
0xa1: {  	s23 =	simm.s32 $0x1B8B  }
0xa2: {  	_ =	swait.ge [sflag:s23], $0x1  }
0xa3: {  	[sflag:s23] =	ssyncset.done $0x0  }
0xa4: {  	s25 =	simm.s32 $0x1B8E;
	s24 =	sld [smem:$0x3FFE];
	[sflag:s23] =	ssyncadd.s32 $0xFFFFFFFF  }
0xa5: {  	s26 =	simm.s32 $execute0_lowered;
	[smem:$0x3FD2] =	sst s25  }
0xa6: {  	s5 =	sshll.u32 s26, $0x1;
	_ =	strace $0x80000049;
	[dreg:$0x1] =	wrdreg $0xFFFFFFFF  }
0xa7: {  	s28 =	simm.s32 $_size_execute0_lowered;
	s3 =	sadd.s32 s3, s5;
	[dreg:$0x0] =	wrdreg $0x0  }
0xa8: {  	s5 =	sshll.u32 s28, $0x1;
	[dreg:$0x2] =	wrdreg s3  }
0xa9: {  	[dreg:$0x3] =	wrdreg s5  }
0xaa: {  	[dreg:$0x4] =	wrdreg $0xC0  }
0xab: {  	_ =	task [dreg:s7], $0x5FFFF  }
0xac: {  	[dreg:$0x1] =	wrdreg $0xFFFFFFFF  }
0xad: {  	[dreg:$0x0] =	wrdreg $0x60  }
0xae: {  	[dreg:$0x2] =	wrdreg s24  }
0xaf: {  	[dreg:$0x3] =	wrdreg s2  }
0xb0: {  	[dreg:$0x4] =	wrdreg $0x90000  }
0xb1: {  	[dreg:$0x5] =	wrdreg $0x9  }
0xb2: {  	_ =	task.clear_ibuf [dreg:s7], $0x6FFFF;
	_ =	strace $0x90000049  }
0xb3: {  	s29 =	simm.s32 $0x9;
	_ =	strace $0x8000004B  }
0xb4: {  	_ =	swait.ge [sflag:s29], $0x1  }
0xb5: {  	[sflag:s29] =	ssyncadd.s32 $0xFFFFFFFF  }
0xb6: {  	_ =	strace $0x9000004B  }
0xb7: {  	_ =	sfence  }
0xb8: {  	s30 =	sld [smem:$0x0];
	_ =	sdelay $0x2  }
0xb9: {  	s31 =	sshll.u32 s1, $0xD;
	s1 =	sshrl.u32 s1, $0x2  }
0xba: {  	s3 =	sand.u32 $0x4000, s31;
	s1 =	sadd.s32 s1, s30  }
0xbb: {  	s0 =	sor.u32 s3, s0;
	s1 =	sshll.u32 s1, $0x11  }
0xbc: {  	s0 =	sor.u32 s1, s0  }
0xbd: {  	s0 =	sadd.s32 $0x8F2B, s0  }
0xbe: {  	[sflag:s0] =	ssyncadd.remote.s32 $0x1  }
0xbf: {  	_ =	sfence.sel $0xFFFF  }
0xc0: {  	[dreg:$0x0] =	wrdreg $0xFFFFFFFF;
	(pc) =	sbr.abs _section_cstart, $3  }
0xc1: {  	[dreg:$0x1] =	wrdreg $0xFFFFFFFF  }
0xc2: {  	_ =	task.clear_ibuf [dreg:s7], $0x2FFFF;
	_ =	strace $0x9FFFFFFF  }
0xc3: {  	(tm) =	ssettm $0x7FFFFFFF  }
tec
execute0_lowered:
.L_overlay_start_1:
0x0: {  	(tag) =	ssettag $0x1  }
0x1: {  	s1 =	srdreg.scid;
	s5 =	rddreg [dreg:$0x0]  }
0x2: {  	s0 =	stileid.u32;
	s2 =	rddreg [dreg:$0x1]  }
0x3: {  	s3 =	rddreg [dreg:$0x2];
	s4 =	simm.s32 $0x0;
	s18 =	simm.s32 $0x5000  }
0x4: {  	s19 =	simm.s32 $0x2;
	s20 =	simm.s32 $0x2800;
	s21 =	simm.s32 $0x80  }
0x5: {  	s22 =	simm.s32 $0x1;
	s23 =	simm.s32 $0x0;
	s8 =	smul.u32 $0x280, s0  }
0x6: {  	s6 =	sand.u32 $0x1, s1;
	s28 =	sshll.u32 s0, $0x1;
	s10 =	smul.u32 $0x50000, s0  }
0x7: {  	[smem:$0x7FF] =	sst s4;
	s1 =	sor.u32 s6, s28;
	s9 =	smul.u32 $0x2800, s6  }
0x8: {  	s6 =	ssub.s32 $0x2, s6;
	s7 =	smul.u32 $0x500, s1;
	s1 =	rddreg [dreg:$0x3]  }
0x9: {  	_ =	strace $0x8000004A;
	s30 =	sshrl.u32 s6, $0x1;
	s29 =	sadd.s32 s8, s9  }
0xa: {  	s17 =	ssub.s32 s6, s30;
	s11 =	sadd.s32 s7, s5;
	s7 =	sshll.u32 s29, $0x4  }
0xb: {  	s31 =	sshrl.u32 s10, $0x2;
	s17 =	smax.u32 s17, $0x1;
	s16 =	sadd.s32 s7, s5  }
0xc: {  	s5 =	sadd.s32 s31, s3;
	s10 =	sadd.s32 $0xBE00, s11;
	s11 =	sadd.s32 $0x1E00, s11  }
0xd: {  	s6 =	sadd.s32 $0x4000, s5;
	s7 =	sadd.s32 $0x8000, s5;
	s8 =	sadd.s32 $0xC000, s5  }
0xe: {  	s9 =	sadd.s32 $0x10000, s5;
	s12 =	sadd.s32 $0x64200, s16;
	s13 =	sadd.s32 $0x64A00, s16  }
0xf: {  	v0 =	vimm.f32 $0.0e+00;
	s14 =	sadd.s32 $0x65200, s16;
	s15 =	sadd.s32 $0x65A00, s16;
	s16 =	sadd.s32 $0x66200, s16  }
.LBB2_1:
0x10: {  	s24 =	simm.s32 $0x0;
	s25 =	simm.s32 $0x200  }
.LBB2_2:
0x11: {  	p0 =	sne.s32 s25, $0xFE00;
	[tilespmem:s24+$0x5070] =	vst v0  }
0x12: {  	[tilespmem:s24+$0x5000] =	vst v0  }
0x13: {  	[tilespmem:s24+$0x5010] =	vst v0  }
.Ltmp0:
0x14: {  	[tilespmem:s24+$0x5020] =	vst v0;
	(pc) =	sbr.rel @p0 .LBB2_2-.Ltmp0, $4  }
0x15: {  	[tilespmem:s24+$0x5030] =	vst v0  }
0x16: {  	[tilespmem:s24+$0x5040] =	vst v0  }
0x17: {  	[tilespmem:s24+$0x5050] =	vst v0  }
0x18: {  	[tilespmem:s24+$0x5060] =	vst v0;
	s24 =	sshra.s32 s25, $0x2;
	s25 =	sadd.s32 $0x200, s25  }
0x19: {  	[tilespmem:s24+$0x5070] =	vst v0  }
0x1a: {  	[tilespmem:s24+$0x5000] =	vst v0  }
0x1b: {  	[tilespmem:s24+$0x5010] =	vst v0  }
0x1c: {  	[tilespmem:s24+$0x5020] =	vst v0  }
0x1d: {  	[tilespmem:s24+$0x5030] =	vst v0  }
0x1e: {  	[tilespmem:s24+$0x5040] =	vst v0  }
0x1f: {  	[tilespmem:s24+$0x5050] =	vst v0  }
0x20: {  	[tilespmem:s24+$0x5060] =	vst v0  }
0x21: {  	[spmem:s5] =	stream.linear.scatter [tilespmem:s18], [sflag:$0x2], $0x4000, $0x38;
	[tilespmem:$0x1D000] =	vst v63  }
0x22: {  	_ =	swait.ge [sflag:s19], $0x4000  }
0x23: {  	[sflag:s19] =	ssyncset.done $0x0  }
0x24: {  	[sflag:s19] =	ssyncadd.s32 $0xFFFFC000  }
0x25: {  	[spmem:s6] =	stream.linear.scatter [tilespmem:s18], [sflag:$0x2], $0x4000, $0x38;
	[tilespmem:$0x1D000] =	vst v63  }
0x26: {  	_ =	swait.ge [sflag:s19], $0x4000  }
0x27: {  	[sflag:s19] =	ssyncset.done $0x0  }
0x28: {  	[sflag:s19] =	ssyncadd.s32 $0xFFFFC000  }
0x29: {  	[spmem:s7] =	stream.linear.scatter [tilespmem:s18], [sflag:$0x2], $0x4000, $0x38;
	[tilespmem:$0x1D000] =	vst v63  }
0x2a: {  	_ =	swait.ge [sflag:s19], $0x4000  }
0x2b: {  	[sflag:s19] =	ssyncset.done $0x0  }
0x2c: {  	[sflag:s19] =	ssyncadd.s32 $0xFFFFC000  }
0x2d: {  	[spmem:s8] =	stream.linear.scatter [tilespmem:s18], [sflag:$0x2], $0x4000, $0x38;
	[tilespmem:$0x1D000] =	vst v63  }
0x2e: {  	_ =	swait.ge [sflag:s19], $0x4000  }
0x2f: {  	[sflag:s19] =	ssyncset.done $0x0  }
0x30: {  	[sflag:s19] =	ssyncadd.s32 $0xFFFFC000  }
0x31: {  	[spmem:s9] =	stream.linear.scatter [tilespmem:s18], [sflag:$0x2], $0x4000, $0x38;
	[tilespmem:$0x1D000] =	vst v63  }
0x32: {  	_ =	swait.ge [sflag:s19], $0x4000  }
0x33: {  	[sflag:s19] =	ssyncset.done $0x0  }
0x34: {  	s29 =	simm.s32 $0x0;
	[sflag:s19] =	ssyncadd.s32 $0xFFFFC000  }
0x35: {  	[tilespmem:s29], [sflag:$0x2] =	stream.linear.gather [hbm4b:s10+s29], $0x2780, $0x38;
	[tilespmem:$0x1D000] =	vst v63  }
0x36: {  	_ =	swait.ge [sflag:s19], $0x2780  }
0x37: {  	[sflag:s19] =	ssyncset.done $0x0  }
0x38: {  	[sflag:s19] =	ssyncadd.s32 $0xFFFFD880  }
0x39: {  	[tilespmem:s20], [sflag:$0x2] =	stream.linear.gather [hbm4b:s11+s29], $0x2780, $0x38;
	[tilespmem:$0x1D000] =	vst v63  }
0x3a: {  	_ =	swait.ge [sflag:s19], $0x2780  }
0x3b: {  	[sflag:s19] =	ssyncset.done $0x0  }
0x3c: {  	[sflag:s19] =	ssyncadd.s32 $0xFFFFD880  }
0x3d: {  	s30 =	simm.s32 $0x0;
	[bflag:$0x0] =	sbarrier.arrive $0xFFFF  }
0x3e: {  	[tilespmem:s18], [sflag:$0x1] =	stream.indirect.gather [hbm4b:s2+s21], $0x80, s30, s21, $0xb8;
	[tilespmem:$0x1D000] =	vst v63  }
0x3f: {  	_ =	swait.ge [sflag:s22], $0x4000  }
0x40: {  	[sflag:s22] =	ssyncset.done $0x0  }
0x41: {  	s31 =	simm.s32 $0x2800;
	[sflag:s22] =	ssyncadd.s32 $0xFFFFC000  }
0x42: {  	[spmem:s3] =	stream.indirect.scatter.add.f32 [tilespmem:s18], [sflag:$0x2], $0x80, s31, s21, $0xb8;
	[tilespmem:$0x1D000] =	vst v63  }
0x43: {  	_ =	swait.ge [sflag:s19], $0x4000  }
0x44: {  	s24 =	simm.s32 $0x200;
	s25 =	simm.s32 $0x400;
	[sflag:s19] =	ssyncset.done $0x0  }
.LBB2_4:
0x45: {  	s26 =	sshra.s32 s24, $0x2  }
0x46: {  	[sflag:s19] =	ssyncadd.s32 $0xFFFFC000;
	s24 =	smov.u32 s25;
	s28 =	sadd.s32 $0x200, s25  }
0x47: {  	[tilespmem:s18], [sflag:$0x1] =	stream.indirect.gather [hbm4b:s2+s21], $0x80, s26, s21, $0xb8;
	[tilespmem:$0x1D000] =	vst v63  }
0x48: {  	p0 =	sne.s32 s25, $0x9C00;
	_ =	swait.ge [sflag:s22], $0x4000  }
.Ltmp1:
0x49: {  	[sflag:s22] =	ssyncset.done $0x0;
	(pc) =	sbr.rel @p0 .LBB2_4-.Ltmp1, $4  }
0x4a: {  	s25 =	sadd.s32 $0x2800, s26;
	[sflag:s22] =	ssyncadd.s32 $0xFFFFC000  }
0x4b: {  	[spmem:s3] =	stream.indirect.scatter.add.f32 [tilespmem:s18], [sflag:$0x2], $0x80, s25, s21, $0xb8;
	[tilespmem:$0x1D000] =	vst v63  }
0x4c: {  	_ =	swait.ge [sflag:s19], $0x4000  }
0x4d: {  	s25 =	smov.u32 s28;
	[sflag:s19] =	ssyncset.done $0x0  }
0x4e: {  	s24 =	sshra.s32 s24, $0x2;
	[sflag:s19] =	ssyncadd.s32 $0xFFFFC000  }
0x4f: {  	[tilespmem:s18], [sflag:$0x1] =	stream.indirect.gather [hbm4b:s2+s21], $0x80, s24, s21, $0xb8;
	[tilespmem:$0x1D000] =	vst v63  }
0x50: {  	_ =	swait.ge [sflag:s22], $0x4000  }
0x51: {  	[sflag:s22] =	ssyncset.done $0x0  }
0x52: {  	s24 =	sadd.s32 $0x2800, s24;
	[sflag:s22] =	ssyncadd.s32 $0xFFFFC000  }
0x53: {  	[spmem:s3] =	stream.indirect.scatter.add.f32 [tilespmem:s18], [sflag:$0x2], $0x80, s24, s21, $0xb8;
	[tilespmem:$0x1D000] =	vst v63  }
0x54: {  	_ =	swait.ge [sflag:s19], $0x4000  }
0x55: {  	[sflag:s19] =	ssyncset.done $0x0  }
0x56: {  	[sflag:s19] =	ssyncadd.s32 $0xFFFFC000  }
0x57: {  	[bflag:$0x0] =	sbarrier.arrive $0xFFFF  }
0x58: {  	[tilespmem:s18], [sflag:$0x2] =	stream.linear.gather [spmem:s5], $0x4000, $0x38;
	[tilespmem:$0x1D000] =	vst v63  }
0x59: {  	_ =	swait.ge [sflag:s19], $0x4000  }
0x5a: {  	[sflag:s19] =	ssyncset.done $0x0  }
0x5b: {  	[sflag:s19] =	ssyncadd.s32 $0xFFFFC000  }
0x5c: {  	[hbm4b:s12+s4] =	stream.linear.scatter [tilespmem:s18], [sflag:$0x2], $0x4000, $0x38;
	[tilespmem:$0x1D000] =	vst v63  }
0x5d: {  	_ =	swait.ge [sflag:s19], $0x4000  }
0x5e: {  	[sflag:s19] =	ssyncset.done $0x0  }
0x5f: {  	[sflag:s19] =	ssyncadd.s32 $0xFFFFC000  }
0x60: {  	[tilespmem:s18], [sflag:$0x2] =	stream.linear.gather [spmem:s6], $0x4000, $0x38;
	[tilespmem:$0x1D000] =	vst v63  }
0x61: {  	_ =	swait.ge [sflag:s19], $0x4000  }
0x62: {  	[sflag:s19] =	ssyncset.done $0x0  }
0x63: {  	[sflag:s19] =	ssyncadd.s32 $0xFFFFC000  }
0x64: {  	[hbm4b:s13+s4] =	stream.linear.scatter [tilespmem:s18], [sflag:$0x2], $0x4000, $0x38;
	[tilespmem:$0x1D000] =	vst v63  }
0x65: {  	_ =	swait.ge [sflag:s19], $0x4000  }
0x66: {  	[sflag:s19] =	ssyncset.done $0x0  }
0x67: {  	[sflag:s19] =	ssyncadd.s32 $0xFFFFC000  }
0x68: {  	[tilespmem:s18], [sflag:$0x2] =	stream.linear.gather [spmem:s7], $0x4000, $0x38;
	[tilespmem:$0x1D000] =	vst v63  }
0x69: {  	_ =	swait.ge [sflag:s19], $0x4000  }
0x6a: {  	[sflag:s19] =	ssyncset.done $0x0  }
0x6b: {  	[sflag:s19] =	ssyncadd.s32 $0xFFFFC000  }
0x6c: {  	[hbm4b:s14+s4] =	stream.linear.scatter [tilespmem:s18], [sflag:$0x2], $0x4000, $0x38;
	[tilespmem:$0x1D000] =	vst v63  }
0x6d: {  	_ =	swait.ge [sflag:s19], $0x4000  }
0x6e: {  	[sflag:s19] =	ssyncset.done $0x0  }
0x6f: {  	[sflag:s19] =	ssyncadd.s32 $0xFFFFC000  }
0x70: {  	[tilespmem:s18], [sflag:$0x2] =	stream.linear.gather [spmem:s8], $0x4000, $0x38;
	[tilespmem:$0x1D000] =	vst v63  }
0x71: {  	_ =	swait.ge [sflag:s19], $0x4000  }
0x72: {  	[sflag:s19] =	ssyncset.done $0x0  }
0x73: {  	[sflag:s19] =	ssyncadd.s32 $0xFFFFC000  }
0x74: {  	[hbm4b:s15+s4] =	stream.linear.scatter [tilespmem:s18], [sflag:$0x2], $0x4000, $0x38;
	[tilespmem:$0x1D000] =	vst v63  }
0x75: {  	_ =	swait.ge [sflag:s19], $0x4000  }
0x76: {  	[sflag:s19] =	ssyncset.done $0x0  }
0x77: {  	[sflag:s19] =	ssyncadd.s32 $0xFFFFC000  }
0x78: {  	[tilespmem:s18], [sflag:$0x2] =	stream.linear.gather [spmem:s9], $0x4000, $0x38;
	[tilespmem:$0x1D000] =	vst v63  }
0x79: {  	s23 =	sadd.s32 $0x1, s23;
	_ =	swait.ge [sflag:s19], $0x4000  }
0x7a: {  	p0 =	sne.s32 s23, s17;
	[sflag:s19] =	ssyncset.done $0x0  }
.Ltmp2:
0x7b: {  	[sflag:s19] =	ssyncadd.s32 $0xFFFFC000;
	(pc) =	sbr.rel @p0 .LBB2_1-.Ltmp2, $4  }
0x7c: {  	[hbm4b:s16+s4] =	stream.linear.scatter [tilespmem:s18], [sflag:$0x2], $0x4000, $0x38;
	[tilespmem:$0x1D000] =	vst v63  }
0x7d: {  	_ =	swait.ge [sflag:s19], $0x4000  }
0x7e: {  	[sflag:s19] =	ssyncset.done $0x0  }
0x7f: {  	[sflag:s19] =	ssyncadd.s32 $0xFFFFC000  }
0x80: {  	_ =	sfence.sel $0x180000  }
0x81: {  	[bflag:$0x0] =	sbarrier.arrive $0xFFFF  }
0x82: {  	p0 =	sne.s32 s0, $0x0;
	_ =	strace $0x9000004A  }
0x83: {  	s0 =	sadd.s32 @!p0 $0x100000, s1;
	[bflag:$0x2] =	sbarrier.arrive $0xFFFF  }
0x84: {  	[sflag:s0] =	ssyncadd.tile.s32 @!p0 $0x1;
	_ =	shalt  }
.Lfunc_end2:
_tile_overlayer_lowered:
.L_overlay_start_2:
0x85: {  	(tag) =	ssettag $0x2  }
0x86: {  	s0 =	rddreg [dreg:$0x0];
	s2 =	stileid.u32  }
0x87: {  	s1 =	rddreg [dreg:$0x1];
	p0 =	sne.s32 s2, $0x0  }
0x88: {  	s3 =	rddreg [dreg:$0x2];
	[bflag:$0x3] =	sbarrier.arrive $0xFFFF;
	s2 =	simm.s32 @!p0 $0x1C02  }
0x89: {  	[timem:s3], [sflag:s2] =	dma.local @!p0 [hbm:s0], s1  }
0x8a: {  	s0 =	simm.s32 @!p0 $0x2  }
0x8b: {  	_ =	swait.ge @!p0 [sflag:s0], s1  }
0x8c: {  	s1 =	ssub.s32 @!p0 $0x0, s1;
	[sflag:s0] =	ssyncset.done @!p0 $0x0  }
0x8d: {  	[sflag:s0] =	ssyncadd.s32 @!p0 s1  }
0x8e: {  	[bflag:$0x3] =	sbarrier.arrive $0xFFFF  }
0x8f: {  	_ =	shalt  }

</sc_bundles>
